<compile_context>
chip_gen: v7x
topology: tpu7x:2x2x1
jax: 0.10.2.dev20260603
libtpu: 0.0.44.dev20260713+nightly
codegen_flags: <defaults>
</compile_context>

<pallas_src>
import functools
import math

import jax
import jax.numpy as jnp
import numpy as np
from jax import lax
from jax.experimental import pallas as pl
from jax.experimental.pallas import tpu as pltpu
from jax.experimental.pallas import tpu_sc as plsc

LOG2 = float(np.log(2.0))
CUTOFF = 5.0
NC = 2
NS = 16
NW = NC * NS
BLK = 128


def _ssp(x):
    return jax.nn.softplus(x) - LOG2


def _h_body(x_ref, w_ref, o_ref):
    o_ref[...] = jnp.dot(x_ref[...], w_ref[...],
                         preferred_element_type=jnp.float32)


def _ef_body(d_ref, wf1_ref, bf1_ref, wf2_ref, bf2_ref, o_ref, *, n_feat):
    d = d_ref[...]
    delta = CUTOFF / (n_feat - 1)
    coef = -1.0 / (2.0 * delta * delta)
    centers = (lax.broadcasted_iota(jnp.int32, (1, n_feat), 1)
               .astype(jnp.float32) * delta)
    g = jnp.exp(coef * (d - centers) ** 2)
    x = _ssp(jnp.dot(g, wf1_ref[...], preferred_element_type=jnp.float32)
             + bf1_ref[...])
    o_ref[...] = (jnp.dot(x, wf2_ref[...], preferred_element_type=jnp.float32)
                  + bf2_ref[...])


def _out_body(p_ref, wm1_ref, bm1_ref, wm2_ref, bm2_ref, o_ref):
    x = p_ref[0] + p_ref[1]
    a = _ssp(jnp.dot(x, wm1_ref[...], preferred_element_type=jnp.float32)
             + bm1_ref[...])
    o_ref[...] = (jnp.dot(a, wm2_ref[...], preferred_element_type=jnp.float32)
                  + bm2_ref[...])


def _sc_body(h_hbm, ef_hbm, src_hbm, dst_hbm, out_hbm,
             idx_src_v, idx_dst_v, rows_v, ef_v, agg_sh, sem1, sem2,
             *, per_w_blks, rows_per_s, n_vregs):
    c = lax.axis_index("c")
    s = lax.axis_index("s")
    wid = s * NC + c

    def zero_body(i, _):
        for v in range(n_vregs):
            rows_v[i, pl.ds(v * 16, 16)] = jnp.zeros((16,), jnp.float32)
        return _
    lax.fori_loop(0, BLK, zero_body, 0)

    base_row = s * rows_per_s
    for k in range(rows_per_s // BLK):
        pltpu.sync_copy(rows_v, agg_sh.at[pl.ds(base_row + k * BLK, BLK)])
    plsc.subcore_barrier()

    e0 = wid * (per_w_blks * BLK)

    def blk_body(b, _):
        base = e0 + b * BLK
        pltpu.sync_copy(src_hbm.at[pl.ds(base, BLK)], idx_src_v)
        pltpu.sync_copy(dst_hbm.at[pl.ds(base, BLK)], idx_dst_v)
        cp1 = pltpu.async_copy(h_hbm.at[idx_src_v], rows_v, sem1)
        cp2 = pltpu.async_copy(ef_hbm.at[pl.ds(base, BLK)], ef_v, sem2)
        cp1.wait()
        cp2.wait()

        def mul_body(i, carry):
            for v in range(n_vregs):
                sl = pl.ds(v * 16, 16)
                rows_v[i, sl] = rows_v[i, sl] * ef_v[i, sl]
            return carry
        lax.fori_loop(0, BLK, mul_body, 0)

        pltpu.sync_copy(rows_v, agg_sh.at[idx_dst_v], add=True)
        return _
    lax.fori_loop(0, per_w_blks, blk_body, 0)

    plsc.subcore_barrier()
    pltpu.sync_copy(agg_sh.at[pl.ds(base_row, rows_per_s)],
                    out_hbm.at[c, pl.ds(base_row, rows_per_s)])


def kernel(features, neighbour_distances, edge_index, W_lin,
           Wf1, bf1, Wf2, bf2, Wm1, bm1, Wm2, bm2):
    N, C = features.shape
    E = neighbour_distances.shape[0]
    F = Wf1.shape[0]
    n_vregs = C // 16

    per_w_blks = -(-E // (NW * BLK))
    e_pad = per_w_blks * BLK * NW
    pad = e_pad - E
    rows_per_s = -(-N // (NS * BLK)) * BLK
    n_pad = rows_per_s * NS

    src = jnp.concatenate([edge_index[1],
                           jnp.zeros((pad,), jnp.int32)])
    dst = jnp.concatenate([edge_index[0],
                           jnp.full((pad,), N, jnp.int32)])
    d_pad = jnp.concatenate([neighbour_distances,
                             jnp.zeros((pad,), jnp.float32)]).reshape(e_pad, 1)

    nblk = 2000
    h = pl.pallas_call(
        _h_body,
        grid=(N // nblk,),
        in_specs=[pl.BlockSpec((nblk, C), lambda i: (i, 0)),
                  pl.BlockSpec((C, C), lambda i: (0, 0))],
        out_specs=pl.BlockSpec((nblk, C), lambda i: (i, 0)),
        out_shape=jax.ShapeDtypeStruct((N, C), jnp.float32),
    )(features, W_lin)

    eblk = 4096
    ef = pl.pallas_call(
        functools.partial(_ef_body, n_feat=F),
        grid=(e_pad // eblk,),
        in_specs=[pl.BlockSpec((eblk, 1), lambda i: (i, 0)),
                  pl.BlockSpec((F, C), lambda i: (0, 0)),
                  pl.BlockSpec((1, C), lambda i: (0, 0)),
                  pl.BlockSpec((C, C), lambda i: (0, 0)),
                  pl.BlockSpec((1, C), lambda i: (0, 0))],
        out_specs=pl.BlockSpec((eblk, C), lambda i: (i, 0)),
        out_shape=jax.ShapeDtypeStruct((e_pad, C), jnp.float32),
    )(d_pad, Wf1, bf1.reshape(1, C), Wf2, bf2.reshape(1, C))

    sc_call = pl.kernel(
        functools.partial(_sc_body, per_w_blks=per_w_blks,
                          rows_per_s=rows_per_s, n_vregs=n_vregs),
        out_type=jax.ShapeDtypeStruct((NC, n_pad, C), jnp.float32),
        scratch_types=[
            pltpu.VMEM((BLK,), jnp.int32),
            pltpu.VMEM((BLK,), jnp.int32),
            pltpu.VMEM((BLK, C), jnp.float32),
            pltpu.VMEM((BLK, C), jnp.float32),
            pltpu.VMEM_SHARED((n_pad, C), jnp.float32),
            pltpu.SemaphoreType.DMA,
            pltpu.SemaphoreType.DMA,
        ],
        mesh=plsc.VectorSubcoreMesh(core_axis_name="c", subcore_axis_name="s"),
    )
    partials = sc_call(h, ef, src, dst)

    out = pl.pallas_call(
        _out_body,
        grid=(N // nblk,),
        in_specs=[pl.BlockSpec((NC, nblk, C), lambda i: (0, i, 0)),
                  pl.BlockSpec((C, C), lambda i: (0, 0)),
                  pl.BlockSpec((1, C), lambda i: (0, 0)),
                  pl.BlockSpec((C, C), lambda i: (0, 0)),
                  pl.BlockSpec((1, C), lambda i: (0, 0))],
        out_specs=pl.BlockSpec((nblk, C), lambda i: (i, 0)),
        out_shape=jax.ShapeDtypeStruct((N, C), jnp.float32),
    )(partials, Wm1, bm1.reshape(1, C), Wm2, bm2.reshape(1, C))
    return out

# --- scband reference (transcript-rebuilt; emitter-appended) ---
"""Pipeline reference for scband-sch-net-interaction-31310311587918 (READ-ONLY COPY).

The authoritative reference and input builder live on the scoring server;
editing this copy changes nothing except your own understanding.
"""

import jax, jax.numpy as jnp
import numpy as np

N = 10000
E = 320000
C = 128
F = 16
CUTOFF = 5.0


def ssp(x):
    # ShiftedSoftplus: softplus(x) - log(2)
    return jax.nn.softplus(x) - jnp.log(2.0)


def gaussian_smearing(d, n_features=F, cutoff=CUTOFF):
    centers = jnp.linspace(0.0, cutoff, n_features, dtype=jnp.float32)
    delta = cutoff / (n_features - 1)
    coef = -1.0 / (2.0 * delta * delta)
    return jnp.exp(coef * (d[:, None] - centers[None, :]) ** 2)


def setup_inputs(seed: int = 0) -> dict:
    key = jax.random.key(seed)
    ks = jax.random.split(key, 12)
    features = jax.random.normal(ks[0], (N, C), dtype=jnp.float32)
    neighbour_distances = jax.random.uniform(ks[1], (E,), dtype=jnp.float32) * CUTOFF
    edge_index = jax.random.randint(ks[2], (2, E), 0, N, dtype=jnp.int32)
    s_c = 1.0 / np.sqrt(C)
    s_f = 1.0 / np.sqrt(F)
    return {
        "features": features,
        "neighbour_distances": neighbour_distances,
        "edge_index": edge_index,
        "W_lin": jax.random.normal(ks[3], (C, C), dtype=jnp.float32) * s_c,
        "Wf1": jax.random.normal(ks[4], (F, C), dtype=jnp.float32) * s_f,
        "bf1": jnp.zeros((C,), dtype=jnp.float32),
        "Wf2": jax.random.normal(ks[5], (C, C), dtype=jnp.float32) * s_c,
        "bf2": jnp.zeros((C,), dtype=jnp.float32),
        "Wm1": jax.random.normal(ks[6], (C, C), dtype=jnp.float32) * s_c,
        "bm1": jnp.zeros((C,), dtype=jnp.float32),
        "Wm2": jax.random.normal(ks[7], (C, C), dtype=jnp.float32) * s_c,
        "bm2": jnp.zeros((C,), dtype=jnp.float32),
    }


def reference(features, neighbour_distances, edge_index, W_lin, Wf1, bf1, Wf2, bf2, Wm1, bm1, Wm2, bm2):
    # 1. linear transform of node features (no bias)
    h = features @ W_lin
    # 2. CFConv: filter_generator = GaussianSmearing -> MLP([F, C, C], ShiftedSoftplus)
    expanded = gaussian_smearing(neighbour_distances)
    edge_features = ssp(expanded @ Wf1 + bf1) @ Wf2 + bf2
    # index_over_neighbours: gather neighbour (source) features per edge
    neighbour_features = jnp.take(h, edge_index[1], axis=0)
    messages = neighbour_features * edge_features
    # sum_over_neighbours: scatter-add messages to central atoms
    agg = jax.ops.segment_sum(messages, edge_index[0], num_segments=N)
    # 4. MLP([C, C, C], ShiftedSoftplus)
    out = ssp(agg @ Wm1 + bm1) @ Wm2 + bm2
    return out

if __name__ == "__main__":
    import jax
    _d = setup_inputs()
    print(jax.jit(kernel)(*tuple(_d.values())))

</pallas_src>

<mosaic_0001>
#map = affine_map<(d0, d1) -> (0, 0)>
#map1 = affine_map<(d0, d1) -> (0)>
#map2 = affine_map<(d0, d1) -> (0, 0, 0)>
module attributes {stable_mosaic.version = 14 : i64} {
  func.func @_sc_body(%arg0: i32, %arg1: i32, %arg2: memref<10000x128xf32, #tpu.memory_space<hbm>>, %arg3: memref<323584x128xf32, #tpu.memory_space<hbm>>, %arg4: memref<323584xi32, #tpu.memory_space<hbm>>, %arg5: memref<323584xi32, #tpu.memory_space<hbm>>, %arg6: memref<2x10240x128xf32, #tpu.memory_space<hbm>>, %arg7: memref<128xi32, #tpu.memory_space<vmem>>, %arg8: memref<128xi32, #tpu.memory_space<vmem>>, %arg9: memref<128x128xf32, #tpu.memory_space<vmem>>, %arg10: memref<128x128xf32, #tpu.memory_space<vmem>>, %arg11: memref<10240x128xf32, #tpu.memory_space<vmem_shared>>, %arg12: memref<!tpu.dma_semaphore, #tpu.memory_space<semaphore_mem>>, %arg13: memref<!tpu.dma_semaphore, #tpu.memory_space<semaphore_mem>>) attributes {dimension_semantics = [#tpu.dimension_semantics<core_parallel>, #tpu.dimension_semantics<subcore_parallel>], iteration_bounds = array<i64: 2, 16>, scalar_prefetch = 0 : i64, scratch_operands = 7 : i64, tpu.core_type = #tpu.core_type<sc_vector_subcore>, window_params = [{transform_indices = #map}, {transform_indices = #map}, {transform_indices = #map1}, {transform_indices = #map1}, {transform_indices = #map2}]} {
    %mul3A = arith.constant 2 : i32
    %mul3A_0 = arith.muli %arg1, %mul3A : i32
    %add3A = arith.addi %mul3A_0, %arg0 : i32
    %scan3A = arith.constant 0 : i32
    %scan3A_1 = arith.constant 0 : i32
    %scan3A_2 = arith.constant 128 : i32
    %scan3A_3 = arith.addi %scan3A_1, %scan3A_2 : i32
    %scan3A_4 = arith.constant 1 : i32
    scf.for %scan3A_27 = %scan3A_1 to %scan3A_3 step %scan3A_4  : i32 {
      %broadcast_in_dim3A = arith.constant 0.000000e+00 : f32
      %broadcast_in_dim3A_28 = vector.broadcast %broadcast_in_dim3A : f32 to vector<16xf32>
      %swap3A = arith.index_cast %scan3A_27 : i32 to index
      %swap3A_29 = arith.constant 0 : index
      %swap3A_30 = tpu.vector_load %arg9[%swap3A, %swap3A_29] {strides = array<i32>} : memref<128x128xf32, #tpu.memory_space<vmem>>, vector<1x16xf32>,
      %swap3A_31 = vector.shape_cast %swap3A_30 : vector<1x16xf32> to vector<16xf32>
      %swap3A_32 = vector.shape_cast %broadcast_in_dim3A_28 : vector<16xf32> to vector<1x16xf32>
      tpu.vector_store %arg9[%swap3A, %swap3A_29], %swap3A_32 {strides = array<i32>} : memref<128x128xf32, #tpu.memory_space<vmem>>, vector<1x16xf32>,
      %broadcast_in_dim3A_33 = arith.constant 0.000000e+00 : f32
      %broadcast_in_dim3A_34 = vector.broadcast %broadcast_in_dim3A_33 : f32 to vector<16xf32>
      %swap3A_35 = arith.index_cast %scan3A_27 : i32 to index
      %swap3A_36 = arith.constant 16 : index
      %swap3A_37 = tpu.vector_load %arg9[%swap3A_35, %swap3A_36] {strides = array<i32>} : memref<128x128xf32, #tpu.memory_space<vmem>>, vector<1x16xf32>,
      %swap3A_38 = vector.shape_cast %swap3A_37 : vector<1x16xf32> to vector<16xf32>
      %swap3A_39 = vector.shape_cast %broadcast_in_dim3A_34 : vector<16xf32> to vector<1x16xf32>
      tpu.vector_store %arg9[%swap3A_35, %swap3A_36], %swap3A_39 {strides = array<i32>} : memref<128x128xf32, #tpu.memory_space<vmem>>, vector<1x16xf32>,
      %broadcast_in_dim3A_40 = arith.constant 0.000000e+00 : f32
      %broadcast_in_dim3A_41 = vector.broadcast %broadcast_in_dim3A_40 : f32 to vector<16xf32>
      %swap3A_42 = arith.index_cast %scan3A_27 : i32 to index
      %swap3A_43 = arith.constant 32 : index
      %swap3A_44 = tpu.vector_load %arg9[%swap3A_42, %swap3A_43] {strides = array<i32>} : memref<128x128xf32, #tpu.memory_space<vmem>>, vector<1x16xf32>,
      %swap3A_45 = vector.shape_cast %swap3A_44 : vector<1x16xf32> to vector<16xf32>
      %swap3A_46 = vector.shape_cast %broadcast_in_dim3A_41 : vector<16xf32> to vector<1x16xf32>
      tpu.vector_store %arg9[%swap3A_42, %swap3A_43], %swap3A_46 {strides = array<i32>} : memref<128x128xf32, #tpu.memory_space<vmem>>, vector<1x16xf32>,
      %broadcast_in_dim3A_47 = arith.constant 0.000000e+00 : f32
      %broadcast_in_dim3A_48 = vector.broadcast %broadcast_in_dim3A_47 : f32 to vector<16xf32>
      %swap3A_49 = arith.index_cast %scan3A_27 : i32 to index
      %swap3A_50 = arith.constant 48 : index
      %swap3A_51 = tpu.vector_load %arg9[%swap3A_49, %swap3A_50] {strides = array<i32>} : memref<128x128xf32, #tpu.memory_space<vmem>>, vector<1x16xf32>,
      %swap3A_52 = vector.shape_cast %swap3A_51 : vector<1x16xf32> to vector<16xf32>
      %swap3A_53 = vector.shape_cast %broadcast_in_dim3A_48 : vector<16xf32> to vector<1x16xf32>
      tpu.vector_store %arg9[%swap3A_49, %swap3A_50], %swap3A_53 {strides = array<i32>} : memref<128x128xf32, #tpu.memory_space<vmem>>, vector<1x16xf32>,
      %broadcast_in_dim3A_54 = arith.constant 0.000000e+00 : f32
      %broadcast_in_dim3A_55 = vector.broadcast %broadcast_in_dim3A_54 : f32 to vector<16xf32>
      %swap3A_56 = arith.index_cast %scan3A_27 : i32 to index
      %swap3A_57 = arith.constant 64 : index
      %swap3A_58 = tpu.vector_load %arg9[%swap3A_56, %swap3A_57] {strides = array<i32>} : memref<128x128xf32, #tpu.memory_space<vmem>>, vector<1x16xf32>,
      %swap3A_59 = vector.shape_cast %swap3A_58 : vector<1x16xf32> to vector<16xf32>
      %swap3A_60 = vector.shape_cast %broadcast_in_dim3A_55 : vector<16xf32> to vector<1x16xf32>
      tpu.vector_store %arg9[%swap3A_56, %swap3A_57], %swap3A_60 {strides = array<i32>} : memref<128x128xf32, #tpu.memory_space<vmem>>, vector<1x16xf32>,
      %broadcast_in_dim3A_61 = arith.constant 0.000000e+00 : f32
      %broadcast_in_dim3A_62 = vector.broadcast %broadcast_in_dim3A_61 : f32 to vector<16xf32>
      %swap3A_63 = arith.index_cast %scan3A_27 : i32 to index
      %swap3A_64 = arith.constant 80 : index
      %swap3A_65 = tpu.vector_load %arg9[%swap3A_63, %swap3A_64] {strides = array<i32>} : memref<128x128xf32, #tpu.memory_space<vmem>>, vector<1x16xf32>,
      %swap3A_66 = vector.shape_cast %swap3A_65 : vector<1x16xf32> to vector<16xf32>
      %swap3A_67 = vector.shape_cast %broadcast_in_dim3A_62 : vector<16xf32> to vector<1x16xf32>
      tpu.vector_store %arg9[%swap3A_63, %swap3A_64], %swap3A_67 {strides = array<i32>} : memref<128x128xf32, #tpu.memory_space<vmem>>, vector<1x16xf32>,
      %broadcast_in_dim3A_68 = arith.constant 0.000000e+00 : f32
      %broadcast_in_dim3A_69 = vector.broadcast %broadcast_in_dim3A_68 : f32 to vector<16xf32>
      %swap3A_70 = arith.index_cast %scan3A_27 : i32 to index
      %swap3A_71 = arith.constant 96 : index
      %swap3A_72 = tpu.vector_load %arg9[%swap3A_70, %swap3A_71] {strides = array<i32>} : memref<128x128xf32, #tpu.memory_space<vmem>>, vector<1x16xf32>,
      %swap3A_73 = vector.shape_cast %swap3A_72 : vector<1x16xf32> to vector<16xf32>
      %swap3A_74 = vector.shape_cast %broadcast_in_dim3A_69 : vector<16xf32> to vector<1x16xf32>
      tpu.vector_store %arg9[%swap3A_70, %swap3A_71], %swap3A_74 {strides = array<i32>} : memref<128x128xf32, #tpu.memory_space<vmem>>, vector<1x16xf32>,
      %broadcast_in_dim3A_75 = arith.constant 0.000000e+00 : f32
      %broadcast_in_dim3A_76 = vector.broadcast %broadcast_in_dim3A_75 : f32 to vector<16xf32>
      %swap3A_77 = arith.index_cast %scan3A_27 : i32 to index
      %swap3A_78 = arith.constant 112 : index
      %swap3A_79 = tpu.vector_load %arg9[%swap3A_77, %swap3A_78] {strides = array<i32>} : memref<128x128xf32, #tpu.memory_space<vmem>>, vector<1x16xf32>,
      %swap3A_80 = vector.shape_cast %swap3A_79 : vector<1x16xf32> to vector<16xf32>
      %swap3A_81 = vector.shape_cast %broadcast_in_dim3A_76 : vector<16xf32> to vector<1x16xf32>
      tpu.vector_store %arg9[%swap3A_77, %swap3A_78], %swap3A_81 {strides = array<i32>} : memref<128x128xf32, #tpu.memory_space<vmem>>, vector<1x16xf32>,
    }
    %scan3A_5 = arith.constant 128 : i32
    %mul3A_6 = arith.constant 640 : i32
    %mul3A_7 = arith.muli %arg1, %mul3A_6 : i32
    %add3A_8 = arith.constant 0 : i32
    %add3A_9 = arith.addi %mul3A_7, %add3A_8 : i32
    "tpu.region"() ({
      %run_scoped3A = tpu.sem_alloc : memref<!tpu.dma_semaphore, #tpu.memory_space<semaphore_mem>>
      %dma_start3A = arith.constant 0 : i32
      %dma_start3A_27 = tpu.memref_slice %arg11[%add3A_9, %dma_start3A] : memref<10240x128xf32, #tpu.memory_space<vmem_shared>> -> memref<128x128xf32, #tpu.memory_space<vmem_shared>>
      %dma_start3A_28 = arith.constant 0 : i32
      %dma_start3A_29 = tpu.memref_slice %arg11[%add3A_9, %dma_start3A_28] : memref<10240x128xf32, #tpu.memory_space<vmem_shared>> -> memref<128x128xf32, #tpu.memory_space<vmem_shared>>
      tpu.enqueue_dma source(%arg9 : memref<128x128xf32, #tpu.memory_space<vmem>>) target(%dma_start3A_29 : memref<128x128xf32, #tpu.memory_space<vmem_shared>>) target_semaphore(%run_scoped3A : memref<!tpu.dma_semaphore, #tpu.memory_space<semaphore_mem>>)
      %dma_wait3A = arith.constant 0 : i32
      %dma_wait3A_30 = tpu.memref_slice %arg11[%add3A_9, %dma_wait3A] : memref<10240x128xf32, #tpu.memory_space<vmem_shared>> -> memref<128x128xf32, #tpu.memory_space<vmem_shared>>
      %dma_wait3A_31 = arith.constant 0 : i32
      %dma_wait3A_32 = tpu.memref_slice %arg11[%add3A_9, %dma_wait3A_31] : memref<10240x128xf32, #tpu.memory_space<vmem_shared>> -> memref<128x128xf32, #tpu.memory_space<vmem_shared>>
      tpu.wait_dma2 semaphore(%run_scoped3A : memref<!tpu.dma_semaphore, #tpu.memory_space<semaphore_mem>>) src(%arg9 : memref<128x128xf32, #tpu.memory_space<vmem>>) dst(%dma_wait3A_32 : memref<128x128xf32, #tpu.memory_space<vmem_shared>>)
      tpu.yield
    }) : () -> ()
    %add3A_10 = arith.constant 128 : i32
    %add3A_11 = arith.addi %mul3A_7, %add3A_10 : i32
    "tpu.region"() ({
      %run_scoped3A = tpu.sem_alloc : memref<!tpu.dma_semaphore, #tpu.memory_space<semaphore_mem>>
      %dma_start3A = arith.constant 0 : i32
      %dma_start3A_27 = tpu.memref_slice %arg11[%add3A_11, %dma_start3A] : memref<10240x128xf32, #tpu.memory_space<vmem_shared>> -> memref<128x128xf32, #tpu.memory_space<vmem_shared>>
      %dma_start3A_28 = arith.constant 0 : i32
      %dma_start3A_29 = tpu.memref_slice %arg11[%add3A_11, %dma_start3A_28] : memref<10240x128xf32, #tpu.memory_space<vmem_shared>> -> memref<128x128xf32, #tpu.memory_space<vmem_shared>>
      tpu.enqueue_dma source(%arg9 : memref<128x128xf32, #tpu.memory_space<vmem>>) target(%dma_start3A_29 : memref<128x128xf32, #tpu.memory_space<vmem_shared>>) target_semaphore(%run_scoped3A : memref<!tpu.dma_semaphore, #tpu.memory_space<semaphore_mem>>)
      %dma_wait3A = arith.constant 0 : i32
      %dma_wait3A_30 = tpu.memref_slice %arg11[%add3A_11, %dma_wait3A] : memref<10240x128xf32, #tpu.memory_space<vmem_shared>> -> memref<128x128xf32, #tpu.memory_space<vmem_shared>>
      %dma_wait3A_31 = arith.constant 0 : i32
      %dma_wait3A_32 = tpu.memref_slice %arg11[%add3A_11, %dma_wait3A_31] : memref<10240x128xf32, #tpu.memory_space<vmem_shared>> -> memref<128x128xf32, #tpu.memory_space<vmem_shared>>
      tpu.wait_dma2 semaphore(%run_scoped3A : memref<!tpu.dma_semaphore, #tpu.memory_space<semaphore_mem>>) src(%arg9 : memref<128x128xf32, #tpu.memory_space<vmem>>) dst(%dma_wait3A_32 : memref<128x128xf32, #tpu.memory_space<vmem_shared>>)
      tpu.yield
    }) : () -> ()
    %add3A_12 = arith.constant 256 : i32
    %add3A_13 = arith.addi %mul3A_7, %add3A_12 : i32
    "tpu.region"() ({
      %run_scoped3A = tpu.sem_alloc : memref<!tpu.dma_semaphore, #tpu.memory_space<semaphore_mem>>
      %dma_start3A = arith.constant 0 : i32
      %dma_start3A_27 = tpu.memref_slice %arg11[%add3A_13, %dma_start3A] : memref<10240x128xf32, #tpu.memory_space<vmem_shared>> -> memref<128x128xf32, #tpu.memory_space<vmem_shared>>
      %dma_start3A_28 = arith.constant 0 : i32
      %dma_start3A_29 = tpu.memref_slice %arg11[%add3A_13, %dma_start3A_28] : memref<10240x128xf32, #tpu.memory_space<vmem_shared>> -> memref<128x128xf32, #tpu.memory_space<vmem_shared>>
      tpu.enqueue_dma source(%arg9 : memref<128x128xf32, #tpu.memory_space<vmem>>) target(%dma_start3A_29 : memref<128x128xf32, #tpu.memory_space<vmem_shared>>) target_semaphore(%run_scoped3A : memref<!tpu.dma_semaphore, #tpu.memory_space<semaphore_mem>>)
      %dma_wait3A = arith.constant 0 : i32
      %dma_wait3A_30 = tpu.memref_slice %arg11[%add3A_13, %dma_wait3A] : memref<10240x128xf32, #tpu.memory_space<vmem_shared>> -> memref<128x128xf32, #tpu.memory_space<vmem_shared>>
      %dma_wait3A_31 = arith.constant 0 : i32
      %dma_wait3A_32 = tpu.memref_slice %arg11[%add3A_13, %dma_wait3A_31] : memref<10240x128xf32, #tpu.memory_space<vmem_shared>> -> memref<128x128xf32, #tpu.memory_space<vmem_shared>>
      tpu.wait_dma2 semaphore(%run_scoped3A : memref<!tpu.dma_semaphore, #tpu.memory_space<semaphore_mem>>) src(%arg9 : memref<128x128xf32, #tpu.memory_space<vmem>>) dst(%dma_wait3A_32 : memref<128x128xf32, #tpu.memory_space<vmem_shared>>)
      tpu.yield
    }) : () -> ()
    %add3A_14 = arith.constant 384 : i32
    %add3A_15 = arith.addi %mul3A_7, %add3A_14 : i32
    "tpu.region"() ({
      %run_scoped3A = tpu.sem_alloc : memref<!tpu.dma_semaphore, #tpu.memory_space<semaphore_mem>>
      %dma_start3A = arith.constant 0 : i32
      %dma_start3A_27 = tpu.memref_slice %arg11[%add3A_15, %dma_start3A] : memref<10240x128xf32, #tpu.memory_space<vmem_shared>> -> memref<128x128xf32, #tpu.memory_space<vmem_shared>>
      %dma_start3A_28 = arith.constant 0 : i32
      %dma_start3A_29 = tpu.memref_slice %arg11[%add3A_15, %dma_start3A_28] : memref<10240x128xf32, #tpu.memory_space<vmem_shared>> -> memref<128x128xf32, #tpu.memory_space<vmem_shared>>
      tpu.enqueue_dma source(%arg9 : memref<128x128xf32, #tpu.memory_space<vmem>>) target(%dma_start3A_29 : memref<128x128xf32, #tpu.memory_space<vmem_shared>>) target_semaphore(%run_scoped3A : memref<!tpu.dma_semaphore, #tpu.memory_space<semaphore_mem>>)
      %dma_wait3A = arith.constant 0 : i32
      %dma_wait3A_30 = tpu.memref_slice %arg11[%add3A_15, %dma_wait3A] : memref<10240x128xf32, #tpu.memory_space<vmem_shared>> -> memref<128x128xf32, #tpu.memory_space<vmem_shared>>
      %dma_wait3A_31 = arith.constant 0 : i32
      %dma_wait3A_32 = tpu.memref_slice %arg11[%add3A_15, %dma_wait3A_31] : memref<10240x128xf32, #tpu.memory_space<vmem_shared>> -> memref<128x128xf32, #tpu.memory_space<vmem_shared>>
      tpu.wait_dma2 semaphore(%run_scoped3A : memref<!tpu.dma_semaphore, #tpu.memory_space<semaphore_mem>>) src(%arg9 : memref<128x128xf32, #tpu.memory_space<vmem>>) dst(%dma_wait3A_32 : memref<128x128xf32, #tpu.memory_space<vmem_shared>>)
      tpu.yield
    }) : () -> ()
    %add3A_16 = arith.constant 512 : i32
    %add3A_17 = arith.addi %mul3A_7, %add3A_16 : i32
    "tpu.region"() ({
      %run_scoped3A = tpu.sem_alloc : memref<!tpu.dma_semaphore, #tpu.memory_space<semaphore_mem>>
      %dma_start3A = arith.constant 0 : i32
      %dma_start3A_27 = tpu.memref_slice %arg11[%add3A_17, %dma_start3A] : memref<10240x128xf32, #tpu.memory_space<vmem_shared>> -> memref<128x128xf32, #tpu.memory_space<vmem_shared>>
      %dma_start3A_28 = arith.constant 0 : i32
      %dma_start3A_29 = tpu.memref_slice %arg11[%add3A_17, %dma_start3A_28] : memref<10240x128xf32, #tpu.memory_space<vmem_shared>> -> memref<128x128xf32, #tpu.memory_space<vmem_shared>>
      tpu.enqueue_dma source(%arg9 : memref<128x128xf32, #tpu.memory_space<vmem>>) target(%dma_start3A_29 : memref<128x128xf32, #tpu.memory_space<vmem_shared>>) target_semaphore(%run_scoped3A : memref<!tpu.dma_semaphore, #tpu.memory_space<semaphore_mem>>)
      %dma_wait3A = arith.constant 0 : i32
      %dma_wait3A_30 = tpu.memref_slice %arg11[%add3A_17, %dma_wait3A] : memref<10240x128xf32, #tpu.memory_space<vmem_shared>> -> memref<128x128xf32, #tpu.memory_space<vmem_shared>>
      %dma_wait3A_31 = arith.constant 0 : i32
      %dma_wait3A_32 = tpu.memref_slice %arg11[%add3A_17, %dma_wait3A_31] : memref<10240x128xf32, #tpu.memory_space<vmem_shared>> -> memref<128x128xf32, #tpu.memory_space<vmem_shared>>
      tpu.wait_dma2 semaphore(%run_scoped3A : memref<!tpu.dma_semaphore, #tpu.memory_space<semaphore_mem>>) src(%arg9 : memref<128x128xf32, #tpu.memory_space<vmem>>) dst(%dma_wait3A_32 : memref<128x128xf32, #tpu.memory_space<vmem_shared>>)
      tpu.yield
    }) : () -> ()
    %barrier3A = arith.constant 0 : index
    tpu.barrier barrier_id(%barrier3A)
    %mul3A_18 = arith.constant 10112 : i32
    %mul3A_19 = arith.muli %add3A, %mul3A_18 : i32
    %scan3A_20 = arith.constant 0 : i32
    %scan3A_21 = arith.constant 0 : i32
    %scan3A_22 = arith.constant 79 : i32
    %scan3A_23 = arith.addi %scan3A_21, %scan3A_22 : i32
    %scan3A_24 = arith.constant 1 : i32
    scf.for %scan3A_27 = %scan3A_21 to %scan3A_23 step %scan3A_24  : i32 {
      %mul3A_28 = arith.constant 128 : i32
      %mul3A_29 = arith.muli %scan3A_27, %mul3A_28 : i32
      %add3A_30 = arith.addi %mul3A_19, %mul3A_29 : i32
      "tpu.region"() ({
        %run_scoped3A = tpu.sem_alloc : memref<!tpu.dma_semaphore, #tpu.memory_space<semaphore_mem>>
        %dma_start3A_49 = tpu.memref_slice %arg4[%add3A_30] : memref<323584xi32, #tpu.memory_space<hbm>> -> memref<128xi32, #tpu.memory_space<hbm>>
        %dma_start3A_50 = tpu.memref_slice %arg4[%add3A_30] : memref<323584xi32, #tpu.memory_space<hbm>> -> memref<128xi32, #tpu.memory_space<hbm>>
        tpu.enqueue_dma source(%dma_start3A_50 : memref<128xi32, #tpu.memory_space<hbm>>) target(%arg7 : memref<128xi32, #tpu.memory_space<vmem>>) target_semaphore(%run_scoped3A : memref<!tpu.dma_semaphore, #tpu.memory_space<semaphore_mem>>)
        %dma_wait3A_51 = tpu.memref_slice %arg4[%add3A_30] : memref<323584xi32, #tpu.memory_space<hbm>> -> memref<128xi32, #tpu.memory_space<hbm>>
        %dma_wait3A_52 = tpu.memref_slice %arg4[%add3A_30] : memref<323584xi32, #tpu.memory_space<hbm>> -> memref<128xi32, #tpu.memory_space<hbm>>
        tpu.wait_dma2 semaphore(%run_scoped3A : memref<!tpu.dma_semaphore, #tpu.memory_space<semaphore_mem>>) src(%dma_wait3A_52 : memref<128xi32, #tpu.memory_space<hbm>>) dst(%arg7 : memref<128xi32, #tpu.memory_space<vmem>>)
        tpu.yield
      }) : () -> ()
      "tpu.region"() ({
        %run_scoped3A = tpu.sem_alloc : memref<!tpu.dma_semaphore, #tpu.memory_space<semaphore_mem>>
        %dma_start3A_49 = tpu.memref_slice %arg5[%add3A_30] : memref<323584xi32, #tpu.memory_space<hbm>> -> memref<128xi32, #tpu.memory_space<hbm>>
        %dma_start3A_50 = tpu.memref_slice %arg5[%add3A_30] : memref<323584xi32, #tpu.memory_space<hbm>> -> memref<128xi32, #tpu.memory_space<hbm>>
        tpu.enqueue_dma source(%dma_start3A_50 : memref<128xi32, #tpu.memory_space<hbm>>) target(%arg8 : memref<128xi32, #tpu.memory_space<vmem>>) target_semaphore(%run_scoped3A : memref<!tpu.dma_semaphore, #tpu.memory_space<semaphore_mem>>)
        %dma_wait3A_51 = tpu.memref_slice %arg5[%add3A_30] : memref<323584xi32, #tpu.memory_space<hbm>> -> memref<128xi32, #tpu.memory_space<hbm>>
        %dma_wait3A_52 = tpu.memref_slice %arg5[%add3A_30] : memref<323584xi32, #tpu.memory_space<hbm>> -> memref<128xi32, #tpu.memory_space<hbm>>
        tpu.wait_dma2 semaphore(%run_scoped3A : memref<!tpu.dma_semaphore, #tpu.memory_space<semaphore_mem>>) src(%dma_wait3A_52 : memref<128xi32, #tpu.memory_space<hbm>>) dst(%arg8 : memref<128xi32, #tpu.memory_space<vmem>>)
        tpu.yield
      }) : () -> ()
      %dma_start3A = arith.constant 0 : i32
      %dma_start3A_31 = arith.constant 0 : i32
      %dma_start3A_32 = tpu.memref_slice %arg2[%dma_start3A, %dma_start3A_31] : memref<10000x128xf32, #tpu.memory_space<hbm>> -> memref<10000x128xf32, #tpu.memory_space<hbm>>
      tpu.enqueue_indirect_dma source(%dma_start3A_32 : memref<10000x128xf32, #tpu.memory_space<hbm>>) target(%arg9 : memref<128x128xf32, #tpu.memory_space<vmem>>) offsets(%arg7 : memref<128xi32, #tpu.memory_space<vmem>>) semaphore(%arg12 : memref<!tpu.dma_semaphore, #tpu.memory_space<semaphore_mem>>)
      %dma_start3A_33 = arith.constant 0 : i32
      %dma_start3A_34 = tpu.memref_slice %arg3[%add3A_30, %dma_start3A_33] : memref<323584x128xf32, #tpu.memory_space<hbm>> -> memref<128x128xf32, #tpu.memory_space<hbm>>
      %dma_start3A_35 = arith.constant 0 : i32
      %dma_start3A_36 = tpu.memref_slice %arg3[%add3A_30, %dma_start3A_35] : memref<323584x128xf32, #tpu.memory_space<hbm>> -> memref<128x128xf32, #tpu.memory_space<hbm>>
      tpu.enqueue_dma source(%dma_start3A_36 : memref<128x128xf32, #tpu.memory_space<hbm>>) target(%arg10 : memref<128x128xf32, #tpu.memory_space<vmem>>) target_semaphore(%arg13 : memref<!tpu.dma_semaphore, #tpu.memory_space<semaphore_mem>>)
      %dma_wait3A = arith.constant 0 : i32
      %dma_wait3A_37 = arith.constant 0 : i32
      %dma_wait3A_38 = tpu.memref_slice %arg2[%dma_wait3A, %dma_wait3A_37] : memref<10000x128xf32, #tpu.memory_space<hbm>> -> memref<10000x128xf32, #tpu.memory_space<hbm>>
      tpu.wait_indirect_dma semaphore(%arg12 : memref<!tpu.dma_semaphore, #tpu.memory_space<semaphore_mem>>) src(%dma_wait3A_38 : memref<10000x128xf32, #tpu.memory_space<hbm>>) dst(%arg9 : memref<128x128xf32, #tpu.memory_space<vmem>>)
      %dma_wait3A_39 = arith.constant 0 : i32
      %dma_wait3A_40 = tpu.memref_slice %arg3[%add3A_30, %dma_wait3A_39] : memref<323584x128xf32, #tpu.memory_space<hbm>> -> memref<128x128xf32, #tpu.memory_space<hbm>>
      %dma_wait3A_41 = arith.constant 0 : i32
      %dma_wait3A_42 = tpu.memref_slice %arg3[%add3A_30, %dma_wait3A_41] : memref<323584x128xf32, #tpu.memory_space<hbm>> -> memref<128x128xf32, #tpu.memory_space<hbm>>
      tpu.wait_dma2 semaphore(%arg13 : memref<!tpu.dma_semaphore, #tpu.memory_space<semaphore_mem>>) src(%dma_wait3A_42 : memref<128x128xf32, #tpu.memory_space<hbm>>) dst(%arg10 : memref<128x128xf32, #tpu.memory_space<vmem>>)
      %scan3A_43 = arith.constant 0 : i32
      %scan3A_44 = arith.constant 0 : i32
      %scan3A_45 = arith.constant 128 : i32
      %scan3A_46 = arith.addi %scan3A_44, %scan3A_45 : i32
      %scan3A_47 = arith.constant 1 : i32
      scf.for %scan3A_49 = %scan3A_44 to %scan3A_46 step %scan3A_47  : i32 {
        %get3A = arith.index_cast %scan3A_49 : i32 to index
        %get3A_50 = arith.constant 0 : index
        %get3A_51 = tpu.vector_load %arg9[%get3A, %get3A_50] {strides = array<i32>} : memref<128x128xf32, #tpu.memory_space<vmem>>, vector<1x16xf32>,
        %get3A_52 = vector.shape_cast %get3A_51 : vector<1x16xf32> to vector<16xf32>
        %get3A_53 = arith.index_cast %scan3A_49 : i32 to index
        %get3A_54 = arith.constant 0 : index
        %get3A_55 = tpu.vector_load %arg10[%get3A_53, %get3A_54] {strides = array<i32>} : memref<128x128xf32, #tpu.memory_space<vmem>>, vector<1x16xf32>,
        %get3A_56 = vector.shape_cast %get3A_55 : vector<1x16xf32> to vector<16xf32>
        %mul3A_57 = arith.mulf %get3A_52, %get3A_56 : vector<16xf32>
        %swap3A = arith.index_cast %scan3A_49 : i32 to index
        %swap3A_58 = arith.constant 0 : index
        %swap3A_59 = tpu.vector_load %arg9[%swap3A, %swap3A_58] {strides = array<i32>} : memref<128x128xf32, #tpu.memory_space<vmem>>, vector<1x16xf32>,
        %swap3A_60 = vector.shape_cast %swap3A_59 : vector<1x16xf32> to vector<16xf32>
        %swap3A_61 = vector.shape_cast %mul3A_57 : vector<16xf32> to vector<1x16xf32>
        tpu.vector_store %arg9[%swap3A, %swap3A_58], %swap3A_61 {strides = array<i32>} : memref<128x128xf32, #tpu.memory_space<vmem>>, vector<1x16xf32>,
        %get3A_62 = arith.index_cast %scan3A_49 : i32 to index
        %get3A_63 = arith.constant 16 : index
        %get3A_64 = tpu.vector_load %arg9[%get3A_62, %get3A_63] {strides = array<i32>} : memref<128x128xf32, #tpu.memory_space<vmem>>, vector<1x16xf32>,
        %get3A_65 = vector.shape_cast %get3A_64 : vector<1x16xf32> to vector<16xf32>
        %get3A_66 = arith.index_cast %scan3A_49 : i32 to index
        %get3A_67 = arith.constant 16 : index
        %get3A_68 = tpu.vector_load %arg10[%get3A_66, %get3A_67] {strides = array<i32>} : memref<128x128xf32, #tpu.memory_space<vmem>>, vector<1x16xf32>,
        %get3A_69 = vector.shape_cast %get3A_68 : vector<1x16xf32> to vector<16xf32>
        %mul3A_70 = arith.mulf %get3A_65, %get3A_69 : vector<16xf32>
        %swap3A_71 = arith.index_cast %scan3A_49 : i32 to index
        %swap3A_72 = arith.constant 16 : index
        %swap3A_73 = tpu.vector_load %arg9[%swap3A_71, %swap3A_72] {strides = array<i32>} : memref<128x128xf32, #tpu.memory_space<vmem>>, vector<1x16xf32>,
        %swap3A_74 = vector.shape_cast %swap3A_73 : vector<1x16xf32> to vector<16xf32>
        %swap3A_75 = vector.shape_cast %mul3A_70 : vector<16xf32> to vector<1x16xf32>
        tpu.vector_store %arg9[%swap3A_71, %swap3A_72], %swap3A_75 {strides = array<i32>} : memref<128x128xf32, #tpu.memory_space<vmem>>, vector<1x16xf32>,
        %get3A_76 = arith.index_cast %scan3A_49 : i32 to index
        %get3A_77 = arith.constant 32 : index
        %get3A_78 = tpu.vector_load %arg9[%get3A_76, %get3A_77] {strides = array<i32>} : memref<128x128xf32, #tpu.memory_space<vmem>>, vector<1x16xf32>,
        %get3A_79 = vector.shape_cast %get3A_78 : vector<1x16xf32> to vector<16xf32>
        %get3A_80 = arith.index_cast %scan3A_49 : i32 to index
        %get3A_81 = arith.constant 32 : index
        %get3A_82 = tpu.vector_load %arg10[%get3A_80, %get3A_81] {strides = array<i32>} : memref<128x128xf32, #tpu.memory_space<vmem>>, vector<1x16xf32>,
        %get3A_83 = vector.shape_cast %get3A_82 : vector<1x16xf32> to vector<16xf32>
        %mul3A_84 = arith.mulf %get3A_79, %get3A_83 : vector<16xf32>
        %swap3A_85 = arith.index_cast %scan3A_49 : i32 to index
        %swap3A_86 = arith.constant 32 : index
        %swap3A_87 = tpu.vector_load %arg9[%swap3A_85, %swap3A_86] {strides = array<i32>} : memref<128x128xf32, #tpu.memory_space<vmem>>, vector<1x16xf32>,
        %swap3A_88 = vector.shape_cast %swap3A_87 : vector<1x16xf32> to vector<16xf32>
        %swap3A_89 = vector.shape_cast %mul3A_84 : vector<16xf32> to vector<1x16xf32>
        tpu.vector_store %arg9[%swap3A_85, %swap3A_86], %swap3A_89 {strides = array<i32>} : memref<128x128xf32, #tpu.memory_space<vmem>>, vector<1x16xf32>,
        %get3A_90 = arith.index_cast %scan3A_49 : i32 to index
        %get3A_91 = arith.constant 48 : index
        %get3A_92 = tpu.vector_load %arg9[%get3A_90, %get3A_91] {strides = array<i32>} : memref<128x128xf32, #tpu.memory_space<vmem>>, vector<1x16xf32>,
        %get3A_93 = vector.shape_cast %get3A_92 : vector<1x16xf32> to vector<16xf32>
        %get3A_94 = arith.index_cast %scan3A_49 : i32 to index
        %get3A_95 = arith.constant 48 : index
        %get3A_96 = tpu.vector_load %arg10[%get3A_94, %get3A_95] {strides = array<i32>} : memref<128x128xf32, #tpu.memory_space<vmem>>, vector<1x16xf32>,
        %get3A_97 = vector.shape_cast %get3A_96 : vector<1x16xf32> to vector<16xf32>
        %mul3A_98 = arith.mulf %get3A_93, %get3A_97 : vector<16xf32>
        %swap3A_99 = arith.index_cast %scan3A_49 : i32 to index
        %swap3A_100 = arith.constant 48 : index
        %swap3A_101 = tpu.vector_load %arg9[%swap3A_99, %swap3A_100] {strides = array<i32>} : memref<128x128xf32, #tpu.memory_space<vmem>>, vector<1x16xf32>,
        %swap3A_102 = vector.shape_cast %swap3A_101 : vector<1x16xf32> to vector<16xf32>
        %swap3A_103 = vector.shape_cast %mul3A_98 : vector<16xf32> to vector<1x16xf32>
        tpu.vector_store %arg9[%swap3A_99, %swap3A_100], %swap3A_103 {strides = array<i32>} : memref<128x128xf32, #tpu.memory_space<vmem>>, vector<1x16xf32>,
        %get3A_104 = arith.index_cast %scan3A_49 : i32 to index
        %get3A_105 = arith.constant 64 : index
        %get3A_106 = tpu.vector_load %arg9[%get3A_104, %get3A_105] {strides = array<i32>} : memref<128x128xf32, #tpu.memory_space<vmem>>, vector<1x16xf32>,
        %get3A_107 = vector.shape_cast %get3A_106 : vector<1x16xf32> to vector<16xf32>
        %get3A_108 = arith.index_cast %scan3A_49 : i32 to index
        %get3A_109 = arith.constant 64 : index
        %get3A_110 = tpu.vector_load %arg10[%get3A_108, %get3A_109] {strides = array<i32>} : memref<128x128xf32, #tpu.memory_space<vmem>>, vector<1x16xf32>,
        %get3A_111 = vector.shape_cast %get3A_110 : vector<1x16xf32> to vector<16xf32>
        %mul3A_112 = arith.mulf %get3A_107, %get3A_111 : vector<16xf32>
        %swap3A_113 = arith.index_cast %scan3A_49 : i32 to index
        %swap3A_114 = arith.constant 64 : index
        %swap3A_115 = tpu.vector_load %arg9[%swap3A_113, %swap3A_114] {strides = array<i32>} : memref<128x128xf32, #tpu.memory_space<vmem>>, vector<1x16xf32>,
        %swap3A_116 = vector.shape_cast %swap3A_115 : vector<1x16xf32> to vector<16xf32>
        %swap3A_117 = vector.shape_cast %mul3A_112 : vector<16xf32> to vector<1x16xf32>
        tpu.vector_store %arg9[%swap3A_113, %swap3A_114], %swap3A_117 {strides = array<i32>} : memref<128x128xf32, #tpu.memory_space<vmem>>, vector<1x16xf32>,
        %get3A_118 = arith.index_cast %scan3A_49 : i32 to index
        %get3A_119 = arith.constant 80 : index
        %get3A_120 = tpu.vector_load %arg9[%get3A_118, %get3A_119] {strides = array<i32>} : memref<128x128xf32, #tpu.memory_space<vmem>>, vector<1x16xf32>,
        %get3A_121 = vector.shape_cast %get3A_120 : vector<1x16xf32> to vector<16xf32>
        %get3A_122 = arith.index_cast %scan3A_49 : i32 to index
        %get3A_123 = arith.constant 80 : index
        %get3A_124 = tpu.vector_load %arg10[%get3A_122, %get3A_123] {strides = array<i32>} : memref<128x128xf32, #tpu.memory_space<vmem>>, vector<1x16xf32>,
        %get3A_125 = vector.shape_cast %get3A_124 : vector<1x16xf32> to vector<16xf32>
        %mul3A_126 = arith.mulf %get3A_121, %get3A_125 : vector<16xf32>
        %swap3A_127 = arith.index_cast %scan3A_49 : i32 to index
        %swap3A_128 = arith.constant 80 : index
        %swap3A_129 = tpu.vector_load %arg9[%swap3A_127, %swap3A_128] {strides = array<i32>} : memref<128x128xf32, #tpu.memory_space<vmem>>, vector<1x16xf32>,
        %swap3A_130 = vector.shape_cast %swap3A_129 : vector<1x16xf32> to vector<16xf32>
        %swap3A_131 = vector.shape_cast %mul3A_126 : vector<16xf32> to vector<1x16xf32>
        tpu.vector_store %arg9[%swap3A_127, %swap3A_128], %swap3A_131 {strides = array<i32>} : memref<128x128xf32, #tpu.memory_space<vmem>>, vector<1x16xf32>,
        %get3A_132 = arith.index_cast %scan3A_49 : i32 to index
        %get3A_133 = arith.constant 96 : index
        %get3A_134 = tpu.vector_load %arg9[%get3A_132, %get3A_133] {strides = array<i32>} : memref<128x128xf32, #tpu.memory_space<vmem>>, vector<1x16xf32>,
        %get3A_135 = vector.shape_cast %get3A_134 : vector<1x16xf32> to vector<16xf32>
        %get3A_136 = arith.index_cast %scan3A_49 : i32 to index
        %get3A_137 = arith.constant 96 : index
        %get3A_138 = tpu.vector_load %arg10[%get3A_136, %get3A_137] {strides = array<i32>} : memref<128x128xf32, #tpu.memory_space<vmem>>, vector<1x16xf32>,
        %get3A_139 = vector.shape_cast %get3A_138 : vector<1x16xf32> to vector<16xf32>
        %mul3A_140 = arith.mulf %get3A_135, %get3A_139 : vector<16xf32>
        %swap3A_141 = arith.index_cast %scan3A_49 : i32 to index
        %swap3A_142 = arith.constant 96 : index
        %swap3A_143 = tpu.vector_load %arg9[%swap3A_141, %swap3A_142] {strides = array<i32>} : memref<128x128xf32, #tpu.memory_space<vmem>>, vector<1x16xf32>,
        %swap3A_144 = vector.shape_cast %swap3A_143 : vector<1x16xf32> to vector<16xf32>
        %swap3A_145 = vector.shape_cast %mul3A_140 : vector<16xf32> to vector<1x16xf32>
        tpu.vector_store %arg9[%swap3A_141, %swap3A_142], %swap3A_145 {strides = array<i32>} : memref<128x128xf32, #tpu.memory_space<vmem>>, vector<1x16xf32>,
        %get3A_146 = arith.index_cast %scan3A_49 : i32 to index
        %get3A_147 = arith.constant 112 : index
        %get3A_148 = tpu.vector_load %arg9[%get3A_146, %get3A_147] {strides = array<i32>} : memref<128x128xf32, #tpu.memory_space<vmem>>, vector<1x16xf32>,
        %get3A_149 = vector.shape_cast %get3A_148 : vector<1x16xf32> to vector<16xf32>
        %get3A_150 = arith.index_cast %scan3A_49 : i32 to index
        %get3A_151 = arith.constant 112 : index
        %get3A_152 = tpu.vector_load %arg10[%get3A_150, %get3A_151] {strides = array<i32>} : memref<128x128xf32, #tpu.memory_space<vmem>>, vector<1x16xf32>,
        %get3A_153 = vector.shape_cast %get3A_152 : vector<1x16xf32> to vector<16xf32>
        %mul3A_154 = arith.mulf %get3A_149, %get3A_153 : vector<16xf32>
        %swap3A_155 = arith.index_cast %scan3A_49 : i32 to index
        %swap3A_156 = arith.constant 112 : index
        %swap3A_157 = tpu.vector_load %arg9[%swap3A_155, %swap3A_156] {strides = array<i32>} : memref<128x128xf32, #tpu.memory_space<vmem>>, vector<1x16xf32>,
        %swap3A_158 = vector.shape_cast %swap3A_157 : vector<1x16xf32> to vector<16xf32>
        %swap3A_159 = vector.shape_cast %mul3A_154 : vector<16xf32> to vector<1x16xf32>
        tpu.vector_store %arg9[%swap3A_155, %swap3A_156], %swap3A_159 {strides = array<i32>} : memref<128x128xf32, #tpu.memory_space<vmem>>, vector<1x16xf32>,
      }
      %scan3A_48 = arith.constant 128 : i32
      "tpu.region"() ({
        %run_scoped3A = tpu.sem_alloc : memref<!tpu.dma_semaphore, #tpu.memory_space<semaphore_mem>>
        %dma_start3A_49 = arith.constant 0 : i32
        %dma_start3A_50 = arith.constant 0 : i32
        %dma_start3A_51 = tpu.memref_slice %arg11[%dma_start3A_49, %dma_start3A_50] : memref<10240x128xf32, #tpu.memory_space<vmem_shared>> -> memref<10240x128xf32, #tpu.memory_space<vmem_shared>>
        tpu.enqueue_indirect_dma source(%arg9 : memref<128x128xf32, #tpu.memory_space<vmem>>) target(%dma_start3A_51 : memref<10240x128xf32, #tpu.memory_space<vmem_shared>>) offsets(%arg8 : memref<128xi32, #tpu.memory_space<vmem>>) semaphore(%run_scoped3A : memref<!tpu.dma_semaphore, #tpu.memory_space<semaphore_mem>>) {add = true}
        %dma_wait3A_52 = arith.constant 0 : i32
        %dma_wait3A_53 = arith.constant 0 : i32
        %dma_wait3A_54 = tpu.memref_slice %arg11[%dma_wait3A_52, %dma_wait3A_53] : memref<10240x128xf32, #tpu.memory_space<vmem_shared>> -> memref<10240x128xf32, #tpu.memory_space<vmem_shared>>
        tpu.wait_indirect_dma semaphore(%run_scoped3A : memref<!tpu.dma_semaphore, #tpu.memory_space<semaphore_mem>>) src(%arg9 : memref<128x128xf32, #tpu.memory_space<vmem>>) dst(%dma_wait3A_54 : memref<10240x128xf32, #tpu.memory_space<vmem_shared>>)
        tpu.yield
      }) : () -> ()
    }
    %scan3A_25 = arith.constant 79 : i32
    %barrier3A_26 = arith.constant 0 : index
    tpu.barrier barrier_id(%barrier3A_26)
    "tpu.region"() ({
      %run_scoped3A = tpu.sem_alloc : memref<!tpu.dma_semaphore, #tpu.memory_space<semaphore_mem>>
      %dma_start3A = arith.constant 0 : i32
      %dma_start3A_27 = tpu.memref_slice %arg6[%arg0, %mul3A_7, %dma_start3A] : memref<2x10240x128xf32, #tpu.memory_space<hbm>> -> memref<1x640x128xf32, #tpu.memory_space<hbm>>
      %dma_start3A_28 = tpu.memref_squeeze %dma_start3A_27 : memref<1x640x128xf32, #tpu.memory_space<hbm>> -> memref<640x128xf32, #tpu.memory_space<hbm>>
      %dma_start3A_29 = arith.constant 0 : i32
      %dma_start3A_30 = tpu.memref_slice %arg11[%mul3A_7, %dma_start3A_29] : memref<10240x128xf32, #tpu.memory_space<vmem_shared>> -> memref<640x128xf32, #tpu.memory_space<vmem_shared>>
      tpu.enqueue_dma source(%dma_start3A_30 : memref<640x128xf32, #tpu.memory_space<vmem_shared>>) target(%dma_start3A_28 : memref<640x128xf32, #tpu.memory_space<hbm>>) target_semaphore(%run_scoped3A : memref<!tpu.dma_semaphore, #tpu.memory_space<semaphore_mem>>)
      %dma_wait3A = arith.constant 0 : i32
      %dma_wait3A_31 = tpu.memref_slice %arg6[%arg0, %mul3A_7, %dma_wait3A] : memref<2x10240x128xf32, #tpu.memory_space<hbm>> -> memref<1x640x128xf32, #tpu.memory_space<hbm>>
      %dma_wait3A_32 = tpu.memref_squeeze %dma_wait3A_31 : memref<1x640x128xf32, #tpu.memory_space<hbm>> -> memref<640x128xf32, #tpu.memory_space<hbm>>
      %dma_wait3A_33 = arith.constant 0 : i32
      %dma_wait3A_34 = tpu.memref_slice %arg11[%mul3A_7, %dma_wait3A_33] : memref<10240x128xf32, #tpu.memory_space<vmem_shared>> -> memref<640x128xf32, #tpu.memory_space<vmem_shared>>
      tpu.wait_dma2 semaphore(%run_scoped3A : memref<!tpu.dma_semaphore, #tpu.memory_space<semaphore_mem>>) src(%dma_wait3A_34 : memref<640x128xf32, #tpu.memory_space<vmem_shared>>) dst(%dma_wait3A_32 : memref<640x128xf32, #tpu.memory_space<hbm>>)
      tpu.yield
    }) : () -> ()
    return
  }
}

module attributes {stable_mosaic.version = 14 : i64} {
  func.func @_h_body(%arg0: i32, %arg1: memref<2000x128xf32, #tpu.memory_space<vmem>>, %arg2: memref<128x128xf32, #tpu.memory_space<vmem>>, %arg3: memref<2000x128xf32, #tpu.memory_space<vmem>>) attributes {dimension_semantics = [#tpu.dimension_semantics<arbitrary>], iteration_bounds = array<i64: 5>, scalar_prefetch = 0 : i64, scratch_operands = 0 : i64, tpu.core_type = #tpu.core_type<tc>, window_params = [{transform_indices = @transform_0, window_bounds = array<i64: 2000, 128>}, {pipeline_mode = #tpu.pipeline_mode<synchronous>, transform_indices = @transform_1, window_bounds = array<i64: 128, 128>}, {transform_indices = @transform_2, window_bounds = array<i64: 2000, 128>}]} {
    %get3A = arith.constant 0 : index
    %get3A_0 = arith.constant 0 : index
    %get3A_1 = vector.load %arg1[%get3A, %get3A_0] : memref<2000x128xf32, #tpu.memory_space<vmem>>, vector<2000x128xf32>
    %get3A_2 = arith.constant 0 : index
    %get3A_3 = arith.constant 0 : index
    %get3A_4 = vector.load %arg2[%get3A_2, %get3A_3] : memref<128x128xf32, #tpu.memory_space<vmem>>, vector<128x128xf32>
    %dot_general3A = arith.constant dense<0.000000e+00> : vector<2000x128xf32>
    %dot_general3A_5 = tpu.matmul %get3A_1, %get3A_4, %dot_general3A {dimension_numbers = #tpu.dot_dimension_numbers<[1], [0], [0], [1], [0, 0, 1, 1], [], []>, transpose_lhs_hint = false} : vector<2000x128xf32>, vector<128x128xf32>, vector<2000x128xf32> -> vector<2000x128xf32>
    %swap3A = arith.constant 0 : index
    %swap3A_6 = arith.constant 0 : index
    %swap3A_7 = vector.load %arg3[%swap3A, %swap3A_6] : memref<2000x128xf32, #tpu.memory_space<vmem>>, vector<2000x128xf32>
    tpu.vector_store %arg3[%swap3A, %swap3A_6], %dot_general3A_5 {strides = array<i32>} : memref<2000x128xf32, #tpu.memory_space<vmem>>, vector<2000x128xf32>,
    return
  }
  func.func @transform_0(%arg0: i32) -> (i32, i32) {
    %c0_i32 = arith.constant 0 : i32
    %c0_i32_0 = arith.constant 0 : i32
    return %arg0, %c0_i32 : i32, i32
  }
  func.func @transform_1(%arg0: i32) -> (i32, i32) {
    %c0_i32 = arith.constant 0 : i32
    %c0_i32_0 = arith.constant 0 : i32
    %c0_i32_1 = arith.constant 0 : i32
    return %c0_i32, %c0_i32_0 : i32, i32
  }
  func.func @transform_2(%arg0: i32) -> (i32, i32) {
    %c0_i32 = arith.constant 0 : i32
    %c0_i32_0 = arith.constant 0 : i32
    return %arg0, %c0_i32 : i32, i32
  }
}

module attributes {stable_mosaic.version = 14 : i64} {
  func.func @_ef_body(%arg0: i32, %arg1: memref<4096x1xf32, #tpu.memory_space<vmem>>, %arg2: memref<16x128xf32, #tpu.memory_space<vmem>>, %arg3: memref<1x128xf32, #tpu.memory_space<vmem>>, %arg4: memref<128x128xf32, #tpu.memory_space<vmem>>, %arg5: memref<1x128xf32, #tpu.memory_space<vmem>>, %arg6: memref<4096x128xf32, #tpu.memory_space<vmem>>) attributes {dimension_semantics = [#tpu.dimension_semantics<arbitrary>], iteration_bounds = array<i64: 79>, scalar_prefetch = 0 : i64, scratch_operands = 0 : i64, tpu.core_type = #tpu.core_type<tc>, window_params = [{transform_indices = @transform_0, window_bounds = array<i64: 4096, 1>}, {pipeline_mode = #tpu.pipeline_mode<synchronous>, transform_indices = @transform_1, window_bounds = array<i64: 16, 128>}, {pipeline_mode = #tpu.pipeline_mode<synchronous>, transform_indices = @transform_2, window_bounds = array<i64: 1, 128>}, {pipeline_mode = #tpu.pipeline_mode<synchronous>, transform_indices = @transform_3, window_bounds = array<i64: 128, 128>}, {pipeline_mode = #tpu.pipeline_mode<synchronous>, transform_indices = @transform_4, window_bounds = array<i64: 1, 128>}, {transform_indices = @transform_5, window_bounds = array<i64: 4096, 128>}]} {
    %get3A = arith.constant 0 : index
    %get3A_0 = arith.constant 0 : index
    %get3A_1 = vector.load %arg1[%get3A, %get3A_0] : memref<4096x1xf32, #tpu.memory_space<vmem>>, vector<4096x1xf32>
    %iota3A = tpu.iota {dimensions = array<i32: 1>} : vector<1x16xi32>
    %convert_element_type3A = arith.sitofp %iota3A : vector<1x16xi32> to vector<1x16xf32>
    %mul3A = arith.constant 0.333333343 : f32
    %mul3A_2 = vector.broadcast %mul3A : f32 to vector<1x16xf32>
    %mul3A_3 = arith.mulf %convert_element_type3A, %mul3A_2 : vector<1x16xf32>
    %sub3A = vector.broadcast %get3A_1 : vector<4096x1xf32> to vector<4096x16xf32>
    %sub3A_4 = vector.broadcast %mul3A_3 : vector<1x16xf32> to vector<4096x16xf32>
    %sub3A_5 = arith.subf %sub3A, %sub3A_4 : vector<4096x16xf32>
    %integer_pow3A = arith.mulf %sub3A_5, %sub3A_5 : vector<4096x16xf32>
    %mul3A_6 = arith.constant -4.500000e+00 : f32
    %mul3A_7 = vector.broadcast %mul3A_6 : f32 to vector<4096x16xf32>
    %mul3A_8 = arith.mulf %mul3A_7, %integer_pow3A : vector<4096x16xf32>
    %exp3A = math.exp %mul3A_8 : vector<4096x16xf32>
    %get3A_9 = arith.constant 0 : index
    %get3A_10 = arith.constant 0 : index
    %get3A_11 = vector.load %arg2[%get3A_9, %get3A_10] : memref<16x128xf32, #tpu.memory_space<vmem>>, vector<16x128xf32>
    %dot_general3A = arith.constant dense<0.000000e+00> : vector<4096x128xf32>
    %dot_general3A_12 = tpu.matmul %exp3A, %get3A_11, %dot_general3A {dimension_numbers = #tpu.dot_dimension_numbers<[1], [0], [0], [1], [0, 0, 1, 1], [], []>, transpose_lhs_hint = false} : vector<4096x16xf32>, vector<16x128xf32>, vector<4096x128xf32> -> vector<4096x128xf32>
    %get3A_13 = arith.constant 0 : index
    %get3A_14 = arith.constant 0 : index
    %get3A_15 = vector.load %arg3[%get3A_13, %get3A_14] : memref<1x128xf32, #tpu.memory_space<vmem>>, vector<1x128xf32>
    %add3A = vector.broadcast %get3A_15 : vector<1x128xf32> to vector<4096x128xf32>
    %add3A_16 = arith.addf %dot_general3A_12, %add3A : vector<4096x128xf32>
    %custom_jvp_call3A = arith.constant 0.000000e+00 : f32
    %max3A = vector.broadcast %custom_jvp_call3A : f32 to vector<4096x128xf32>
    %max3A_17 = arith.maximumf %add3A_16, %max3A : vector<4096x128xf32>
    %sub3A_18 = vector.broadcast %custom_jvp_call3A : f32 to vector<4096x128xf32>
    %sub3A_19 = arith.subf %add3A_16, %sub3A_18 : vector<4096x128xf32>
    %ne3A = arith.cmpf one, %sub3A_19, %sub3A_19 : vector<4096x128xf32>
    %add3A_20 = vector.broadcast %custom_jvp_call3A : f32 to vector<4096x128xf32>
    %add3A_21 = arith.addf %add3A_16, %add3A_20 : vector<4096x128xf32>
    %abs3A = math.absf %sub3A_19 : vector<4096x128xf32>
    %neg3A = arith.constant 0.000000e+00 : f32
    %neg3A_22 = vector.broadcast %neg3A : f32 to vector<4096x128xf32>
    %neg3A_23 = arith.subf %neg3A_22, %abs3A : vector<4096x128xf32>
    %exp3A_24 = math.exp %neg3A_23 : vector<4096x128xf32>
    %log1p3A = math.log1p %exp3A_24 : vector<4096x128xf32>
    %add3A_25 = arith.addf %max3A_17, %log1p3A : vector<4096x128xf32>
    %select_n3A = arith.select %ne3A, %add3A_21, %add3A_25 : vector<4096x128xi1>, vector<4096x128xf32>
    %sub3A_26 = arith.constant 0.693147182 : f32
    %sub3A_27 = vector.broadcast %sub3A_26 : f32 to vector<4096x128xf32>
    %sub3A_28 = arith.subf %select_n3A, %sub3A_27 : vector<4096x128xf32>
    %get3A_29 = arith.constant 0 : index
    %get3A_30 = arith.constant 0 : index
    %get3A_31 = vector.load %arg4[%get3A_29, %get3A_30] : memref<128x128xf32, #tpu.memory_space<vmem>>, vector<128x128xf32>
    %dot_general3A_32 = arith.constant dense<0.000000e+00> : vector<4096x128xf32>
    %dot_general3A_33 = tpu.matmul %sub3A_28, %get3A_31, %dot_general3A_32 {dimension_numbers = #tpu.dot_dimension_numbers<[1], [0], [0], [1], [0, 0, 1, 1], [], []>, transpose_lhs_hint = false} : vector<4096x128xf32>, vector<128x128xf32>, vector<4096x128xf32> -> vector<4096x128xf32>
    %get3A_34 = arith.constant 0 : index
    %get3A_35 = arith.constant 0 : index
    %get3A_36 = vector.load %arg5[%get3A_34, %get3A_35] : memref<1x128xf32, #tpu.memory_space<vmem>>, vector<1x128xf32>
    %add3A_37 = vector.broadcast %get3A_36 : vector<1x128xf32> to vector<4096x128xf32>
    %add3A_38 = arith.addf %dot_general3A_33, %add3A_37 : vector<4096x128xf32>
    %swap3A = arith.constant 0 : index
    %swap3A_39 = arith.constant 0 : index
    %swap3A_40 = vector.load %arg6[%swap3A, %swap3A_39] : memref<4096x128xf32, #tpu.memory_space<vmem>>, vector<4096x128xf32>
    tpu.vector_store %arg6[%swap3A, %swap3A_39], %add3A_38 {strides = array<i32>} : memref<4096x128xf32, #tpu.memory_space<vmem>>, vector<4096x128xf32>,
    return
  }
  func.func @transform_0(%arg0: i32) -> (i32, i32) {
    %c0_i32 = arith.constant 0 : i32
    %c0_i32_0 = arith.constant 0 : i32
    return %arg0, %c0_i32 : i32, i32
  }
  func.func @transform_1(%arg0: i32) -> (i32, i32) {
    %c0_i32 = arith.constant 0 : i32
    %c0_i32_0 = arith.constant 0 : i32
    %c0_i32_1 = arith.constant 0 : i32
    return %c0_i32, %c0_i32_0 : i32, i32
  }
  func.func @transform_2(%arg0: i32) -> (i32, i32) {
    %c0_i32 = arith.constant 0 : i32
    %c0_i32_0 = arith.constant 0 : i32
    %c0_i32_1 = arith.constant 0 : i32
    return %c0_i32, %c0_i32_0 : i32, i32
  }
  func.func @transform_3(%arg0: i32) -> (i32, i32) {
    %c0_i32 = arith.constant 0 : i32
    %c0_i32_0 = arith.constant 0 : i32
    %c0_i32_1 = arith.constant 0 : i32
    return %c0_i32, %c0_i32_0 : i32, i32
  }
  func.func @transform_4(%arg0: i32) -> (i32, i32) {
    %c0_i32 = arith.constant 0 : i32
    %c0_i32_0 = arith.constant 0 : i32
    %c0_i32_1 = arith.constant 0 : i32
    return %c0_i32, %c0_i32_0 : i32, i32
  }
  func.func @transform_5(%arg0: i32) -> (i32, i32) {
    %c0_i32 = arith.constant 0 : i32
    %c0_i32_0 = arith.constant 0 : i32
    return %arg0, %c0_i32 : i32, i32
  }
}

module attributes {stable_mosaic.version = 14 : i64} {
  func.func @_out_body(%arg0: i32, %arg1: memref<2x2000x128xf32, #tpu.memory_space<vmem>>, %arg2: memref<128x128xf32, #tpu.memory_space<vmem>>, %arg3: memref<1x128xf32, #tpu.memory_space<vmem>>, %arg4: memref<128x128xf32, #tpu.memory_space<vmem>>, %arg5: memref<1x128xf32, #tpu.memory_space<vmem>>, %arg6: memref<2000x128xf32, #tpu.memory_space<vmem>>) attributes {dimension_semantics = [#tpu.dimension_semantics<arbitrary>], iteration_bounds = array<i64: 5>, scalar_prefetch = 0 : i64, scratch_operands = 0 : i64, tpu.core_type = #tpu.core_type<tc>, window_params = [{transform_indices = @transform_0, window_bounds = array<i64: 2, 2000, 128>}, {pipeline_mode = #tpu.pipeline_mode<synchronous>, transform_indices = @transform_1, window_bounds = array<i64: 128, 128>}, {pipeline_mode = #tpu.pipeline_mode<synchronous>, transform_indices = @transform_2, window_bounds = array<i64: 1, 128>}, {pipeline_mode = #tpu.pipeline_mode<synchronous>, transform_indices = @transform_3, window_bounds = array<i64: 128, 128>}, {pipeline_mode = #tpu.pipeline_mode<synchronous>, transform_indices = @transform_4, window_bounds = array<i64: 1, 128>}, {transform_indices = @transform_5, window_bounds = array<i64: 2000, 128>}]} {
    %get3A = arith.constant 0 : index
    %get3A_0 = arith.constant 0 : index
    %get3A_1 = arith.constant 0 : index
    %get3A_2 = vector.load %arg1[%get3A, %get3A_0, %get3A_1] : memref<2x2000x128xf32, #tpu.memory_space<vmem>>, vector<1x2000x128xf32>
    %get3A_3 = vector.shape_cast %get3A_2 : vector<1x2000x128xf32> to vector<2000x128xf32>
    %get3A_4 = arith.constant 1 : index
    %get3A_5 = arith.constant 0 : index
    %get3A_6 = arith.constant 0 : index
    %get3A_7 = vector.load %arg1[%get3A_4, %get3A_5, %get3A_6] : memref<2x2000x128xf32, #tpu.memory_space<vmem>>, vector<1x2000x128xf32>
    %get3A_8 = vector.shape_cast %get3A_7 : vector<1x2000x128xf32> to vector<2000x128xf32>
    %add3A = arith.addf %get3A_3, %get3A_8 : vector<2000x128xf32>
    %get3A_9 = arith.constant 0 : index
    %get3A_10 = arith.constant 0 : index
    %get3A_11 = vector.load %arg2[%get3A_9, %get3A_10] : memref<128x128xf32, #tpu.memory_space<vmem>>, vector<128x128xf32>
    %dot_general3A = arith.constant dense<0.000000e+00> : vector<2000x128xf32>
    %dot_general3A_12 = tpu.matmul %add3A, %get3A_11, %dot_general3A {dimension_numbers = #tpu.dot_dimension_numbers<[1], [0], [0], [1], [0, 0, 1, 1], [], []>, transpose_lhs_hint = false} : vector<2000x128xf32>, vector<128x128xf32>, vector<2000x128xf32> -> vector<2000x128xf32>
    %get3A_13 = arith.constant 0 : index
    %get3A_14 = arith.constant 0 : index
    %get3A_15 = vector.load %arg3[%get3A_13, %get3A_14] : memref<1x128xf32, #tpu.memory_space<vmem>>, vector<1x128xf32>
    %add3A_16 = vector.broadcast %get3A_15 : vector<1x128xf32> to vector<2000x128xf32>
    %add3A_17 = arith.addf %dot_general3A_12, %add3A_16 : vector<2000x128xf32>
    %custom_jvp_call3A = arith.constant 0.000000e+00 : f32
    %max3A = vector.broadcast %custom_jvp_call3A : f32 to vector<2000x128xf32>
    %max3A_18 = arith.maximumf %add3A_17, %max3A : vector<2000x128xf32>
    %sub3A = vector.broadcast %custom_jvp_call3A : f32 to vector<2000x128xf32>
    %sub3A_19 = arith.subf %add3A_17, %sub3A : vector<2000x128xf32>
    %ne3A = arith.cmpf one, %sub3A_19, %sub3A_19 : vector<2000x128xf32>
    %add3A_20 = vector.broadcast %custom_jvp_call3A : f32 to vector<2000x128xf32>
    %add3A_21 = arith.addf %add3A_17, %add3A_20 : vector<2000x128xf32>
    %abs3A = math.absf %sub3A_19 : vector<2000x128xf32>
    %neg3A = arith.constant 0.000000e+00 : f32
    %neg3A_22 = vector.broadcast %neg3A : f32 to vector<2000x128xf32>
    %neg3A_23 = arith.subf %neg3A_22, %abs3A : vector<2000x128xf32>
    %exp3A = math.exp %neg3A_23 : vector<2000x128xf32>
    %log1p3A = math.log1p %exp3A : vector<2000x128xf32>
    %add3A_24 = arith.addf %max3A_18, %log1p3A : vector<2000x128xf32>
    %select_n3A = arith.select %ne3A, %add3A_21, %add3A_24 : vector<2000x128xi1>, vector<2000x128xf32>
    %sub3A_25 = arith.constant 0.693147182 : f32
    %sub3A_26 = vector.broadcast %sub3A_25 : f32 to vector<2000x128xf32>
    %sub3A_27 = arith.subf %select_n3A, %sub3A_26 : vector<2000x128xf32>
    %get3A_28 = arith.constant 0 : index
    %get3A_29 = arith.constant 0 : index
    %get3A_30 = vector.load %arg4[%get3A_28, %get3A_29] : memref<128x128xf32, #tpu.memory_space<vmem>>, vector<128x128xf32>
    %dot_general3A_31 = arith.constant dense<0.000000e+00> : vector<2000x128xf32>
    %dot_general3A_32 = tpu.matmul %sub3A_27, %get3A_30, %dot_general3A_31 {dimension_numbers = #tpu.dot_dimension_numbers<[1], [0], [0], [1], [0, 0, 1, 1], [], []>, transpose_lhs_hint = false} : vector<2000x128xf32>, vector<128x128xf32>, vector<2000x128xf32> -> vector<2000x128xf32>
    %get3A_33 = arith.constant 0 : index
    %get3A_34 = arith.constant 0 : index
    %get3A_35 = vector.load %arg5[%get3A_33, %get3A_34] : memref<1x128xf32, #tpu.memory_space<vmem>>, vector<1x128xf32>
    %add3A_36 = vector.broadcast %get3A_35 : vector<1x128xf32> to vector<2000x128xf32>
    %add3A_37 = arith.addf %dot_general3A_32, %add3A_36 : vector<2000x128xf32>
    %swap3A = arith.constant 0 : index
    %swap3A_38 = arith.constant 0 : index
    %swap3A_39 = vector.load %arg6[%swap3A, %swap3A_38] : memref<2000x128xf32, #tpu.memory_space<vmem>>, vector<2000x128xf32>
    tpu.vector_store %arg6[%swap3A, %swap3A_38], %add3A_37 {strides = array<i32>} : memref<2000x128xf32, #tpu.memory_space<vmem>>, vector<2000x128xf32>,
    return
  }
  func.func @transform_0(%arg0: i32) -> (i32, i32, i32) {
    %c0_i32 = arith.constant 0 : i32
    %c0_i32_0 = arith.constant 0 : i32
    %c0_i32_1 = arith.constant 0 : i32
    return %c0_i32, %arg0, %c0_i32_0 : i32, i32, i32
  }
  func.func @transform_1(%arg0: i32) -> (i32, i32) {
    %c0_i32 = arith.constant 0 : i32
    %c0_i32_0 = arith.constant 0 : i32
    %c0_i32_1 = arith.constant 0 : i32
    return %c0_i32, %c0_i32_0 : i32, i32
  }
  func.func @transform_2(%arg0: i32) -> (i32, i32) {
    %c0_i32 = arith.constant 0 : i32
    %c0_i32_0 = arith.constant 0 : i32
    %c0_i32_1 = arith.constant 0 : i32
    return %c0_i32, %c0_i32_0 : i32, i32
  }
  func.func @transform_3(%arg0: i32) -> (i32, i32) {
    %c0_i32 = arith.constant 0 : i32
    %c0_i32_0 = arith.constant 0 : i32
    %c0_i32_1 = arith.constant 0 : i32
    return %c0_i32, %c0_i32_0 : i32, i32
  }
  func.func @transform_4(%arg0: i32) -> (i32, i32) {
    %c0_i32 = arith.constant 0 : i32
    %c0_i32_0 = arith.constant 0 : i32
    %c0_i32_1 = arith.constant 0 : i32
    return %c0_i32, %c0_i32_0 : i32, i32
  }
  func.func @transform_5(%arg0: i32) -> (i32, i32) {
    %c0_i32 = arith.constant 0 : i32
    %c0_i32_0 = arith.constant 0 : i32
    return %arg0, %c0_i32 : i32, i32
  }
}

</mosaic_0001>

<sc_bundles>
// kernel: kernel.6.cloned.1.call-start
scs
__scs_entry_jumppad:
0x0: {  	(pc) =	sbr.rel $0x88, $3  }
0x1: {  	(tag) =	ssettag $0x0;
	lr =	simm.s32 $0x1  }
0x2: {  	[smem:$0x3F95] =	sst lr;
	_ =	strace $0xD0000000  }
0x3: {  	_ = 	snop  }
0x4: {  	_ = 	snop  }
0x5: {  	_ = 	snop  }
0x6: {  	_ = 	snop  }
0x7: {  	_ = 	snop  }
__scs_overlays_trampoline_lowered:
0x8: {  	[smem:$0x3FA4] =	sst s0  }
0x9: {  	[smem:$0x3FA5] =	sst s1  }
0xa: {  	[smem:$0x3FA6] =	sst s2  }
0xb: {  	[smem:$0x3FA7] =	sst s3  }
0xc: {  	[smem:$0x3FA8] =	sst s4  }
0xd: {  	[smem:$0x3FA9] =	sst s5  }
0xe: {  	[smem:$0x3FAA] =	sst s6  }
0xf: {  	[smem:$0x3FAB] =	sst s7  }
0x10: {  	[smem:$0x3FAC] =	sst s8  }
0x11: {  	[smem:$0x3FAD] =	sst s9;
	s0 =	simm.s32 @!p0 $0x0  }
0x12: {  	s1 =	sld [smem:$0x3F93];
	s0 =	simm.s32 @p0 $0x1  }
0x13: {  	[smem:$0x3FAE] =	sst s0;
	s0 =	simm.s32 @!p1 $0x0  }
0x14: {  	s2 =	sld [smem:$0x3F92];
	s0 =	simm.s32 @p1 $0x1  }
0x15: {  	[smem:$0x3FAF] =	sst s0;
	s0 =	simm.s32 @!p2 $0x0  }
0x16: {  	s3 =	sld [smem:$0x3FDB];
	s0 =	simm.s32 @p2 $0x1  }
0x17: {  	s4 =	simm.s32 $0x1BF5;
	[smem:$0x3FB1] =	sst s0  }
0x18: {  	s0 =	sld [smem:$0x3F94];
	_ =	swait.ge [sflag:s4], $0x0  }
0x19: {  	s7 =	sld [smem:$0x3F95]  }
0x1a: {  	s8 =	sadd.s32 $0xFFFFE003, lr  }
0x1b: {  	s9 =	sadd.s32 $0xFFFFFEF7, lr;
	s5 =	simm.s32 $0xFFFFFFFF;
	p2 =	slt.u32 s8, $0xFFFFF086  }
0x1c: {  	p1 =	slt.u32 s9, $0xF7A;
	s5 =	simm.s32 @!p2 $0x0  }
0x1d: {  	s5 =	simm.s32 @p1 $0x1;
	p0 =	seq.s32 s7, s2  }
0x1e: {  	s7 =	smul.u32 @!p0 $0xF7A, s2;
	p2 =	seq.s32 @!p0 s5, $0x0  }
0x1f: {  	s9 =	smul.u32 $0xF7A, s1;
	s8 =	simm.s32 @!p0 $0x1BF5;
	p2 =	por !p2, p0  }
0x20: {  	[sflag:s8] =	ssyncset.s32 @!p0 $0xFFFFF086;
	s6 =	sadd.s32 @!p0 s3, s7;
	s7 =	simm.s32 @!p0 $0x108  }
0x21: {  	s3 =	sadd.s32 s3, s9;
	s6 =	sadd.s32 @!p0 $0x88, s6;
	s7 =	simm.s32 @p2 $0x1082  }
0x22: {  	[simem:s7], [sflag:s8] =	dma.local @!p0 [hbm:s6], $0xF7A  }
0x23: {  	s9 =	sor.u32 $0xD0000000, s2;
	s6 =	simm.s32 $0x108;
	_ =	swait.ge @!p0 [sflag:s8], $0x0  }
0x24: {  	s3 =	sadd.s32 $0x88, s3;
	s6 =	simm.s32 @!p1 $0x1082;
	[sflag:s4] =	ssyncset.s32 $0xFFFFF086  }
0x25: {  	[simem:s6], [sflag:s4] =	dma.local [hbm:s3], $0xF7A  }
0x26: {  	[smem:$0x3F95] =	sst s1;
	(tag) =	ssettag s2;
	_ =	strace s9  }
0x27: {  	s1 =	sld [smem:$0x3FA5]  }
0x28: {  	s2 =	sld [smem:$0x3FA6]  }
0x29: {  	s4 =	sld [smem:$0x3FA8]  }
0x2a: {  	p0 =	seq.s32 s5, $0x0;
	s5 =	sld [smem:$0x3FA9]  }
0x2b: {  	s6 =	sld [smem:$0x3FAA]  }
0x2c: {  	s7 =	sld [smem:$0x3FAB]  }
0x2d: {  	s3 =	simm.s32 $0x108;
	s8 =	sld [smem:$0x3FAC]  }
0x2e: {  	s3 =	simm.s32 @!p0 $0x1082;
	s9 =	sld [smem:$0x3FAD]  }
0x2f: {  	lr =	sadd.s32 s0, s3;
	s0 =	sld [smem:$0x3FA4]  }
0x30: {  	s3 =	sld [smem:$0x3FA7]  }
0x31: {  	[smem:$0x3FB0] =	sst s10  }
0x32: {  	s10 =	sld [smem:$0x3FAE];
	_ =	sdelay $0x3  }
0x33: {  	p0 =	seq.s32 s10, $0x1;
	s10 =	sld [smem:$0x3FB0];
	_ =	sdelay $0x3  }
0x34: {  	[smem:$0x3FB0] =	sst s10  }
0x35: {  	s10 =	sld [smem:$0x3FAF];
	_ =	sdelay $0x3  }
0x36: {  	p1 =	seq.s32 s10, $0x1;
	s10 =	sld [smem:$0x3FB0];
	_ =	sdelay $0x3  }
0x37: {  	[smem:$0x3FB0] =	sst s10  }
0x38: {  	s10 =	sld [smem:$0x3FB1]  }
0x39: {  	_ = 	snop;
	(pc) =	sbr.ind lr, $3  }
0x3a: {  	_ = 	snop  }
0x3b: {  	_ = 	snop  }
0x3c: {  	p2 =	seq.s32 s10, $0x1;
	s10 =	sld [smem:$0x3FB0]  }
0x3d: {  	_ =	shalt  }
0x3e: {  	_ =	shalt  }
0x3f: {  	_ =	shalt  }
0x40: {  	_ =	shalt  }
0x41: {  	_ =	shalt  }
0x42: {  	_ =	shalt  }
0x43: {  	_ =	shalt  }
0x44: {  	_ =	shalt  }
0x45: {  	_ =	shalt  }
0x46: {  	_ =	shalt  }
0x47: {  	_ =	shalt  }
0x48: {  	_ =	shalt  }
0x49: {  	_ =	shalt  }
0x4a: {  	_ =	shalt  }
0x4b: {  	_ =	shalt  }
0x4c: {  	_ =	shalt  }
0x4d: {  	_ =	shalt  }
0x4e: {  	_ =	shalt  }
0x4f: {  	_ =	shalt  }
0x50: {  	_ =	shalt  }
0x51: {  	_ =	shalt  }
0x52: {  	_ =	shalt  }
0x53: {  	_ =	shalt  }
0x54: {  	_ =	shalt  }
0x55: {  	_ =	shalt  }
0x56: {  	_ =	shalt  }
0x57: {  	_ =	shalt  }
0x58: {  	_ =	shalt  }
0x59: {  	_ =	shalt  }
0x5a: {  	_ =	shalt  }
0x5b: {  	_ =	shalt  }
0x5c: {  	_ =	shalt  }
0x5d: {  	_ =	shalt  }
0x5e: {  	_ =	shalt  }
0x5f: {  	_ =	shalt  }
0x60: {  	_ =	shalt  }
0x61: {  	_ =	shalt  }
0x62: {  	_ =	shalt  }
0x63: {  	_ =	shalt  }
0x64: {  	_ =	shalt  }
0x65: {  	_ =	shalt  }
0x66: {  	_ =	shalt  }
0x67: {  	_ =	shalt  }
0x68: {  	_ =	shalt  }
0x69: {  	_ =	shalt  }
0x6a: {  	_ =	shalt  }
0x6b: {  	_ =	shalt  }
0x6c: {  	_ =	shalt  }
0x6d: {  	_ =	shalt  }
0x6e: {  	_ =	shalt  }
0x6f: {  	_ =	shalt  }
0x70: {  	_ =	shalt  }
0x71: {  	_ =	shalt  }
0x72: {  	_ =	shalt  }
0x73: {  	_ =	shalt  }
0x74: {  	_ =	shalt  }
0x75: {  	_ =	shalt  }
0x76: {  	_ =	shalt  }
0x77: {  	_ =	shalt  }
0x78: {  	_ =	shalt  }
0x79: {  	_ =	shalt  }
0x7a: {  	_ =	shalt  }
0x7b: {  	_ =	shalt  }
0x7c: {  	_ =	shalt  }
0x7d: {  	_ =	shalt  }
0x7e: {  	_ =	shalt  }
0x7f: {  	_ =	shalt  }
0x80: {  	_ =	shalt  }
0x81: {  	_ =	shalt  }
0x82: {  	_ =	shalt  }
0x83: {  	_ =	shalt  }
0x84: {  	_ =	shalt  }
0x85: {  	_ =	shalt  }
0x86: {  	_ =	shalt  }
0x87: {  	_ =	shalt  }
.Lfunc_end0:
.L_simem_size_0:
called_computation_lowered:
.L_overlay_start_0:
0x88: {  	s2 =	sld [smem:$0x3FD9]  }
0x89: {  	s3 =	sld [smem:$0x3FFE];
	_ =	sdelay $0x1  }
0x8a: {  	s1 =	srdreg.scid  }
0x8b: {  	s0 =	sand.u32 $0x1, s1  }
0x8c: {  	s17 =	sshll.u32 s0, $0xA;
	s2 =	sadd.s32 s3, s2  }
0x8d: {  	s2 =	sadd.s32 s2, s17  }
0x8e: {  	[smem:$0x3FBC] =	sst s2  }
0x8f: {  	_ = 	snop  }
0x90: {  	s2 =	sld [smem:$0x3FD0];
	(tm) =	ssettm $0x1  }
0x91: {  	s18 =	sld [smem:$0x3FFB];
	_ =	sdelay $0x3  }
0x92: {  	_ =	strace s18  }
0x93: {  	s3 =	sld [smem:$0x3FFC];
	_ =	sdelay $0x3  }
0x94: {  	_ =	strace s3  }
0x95: {  	s3 =	sld [smem:$0x3FFD];
	_ =	sdelay $0x3  }
0x96: {  	_ =	strace s3  }
0x97: {  	_ =	strace $0x8FFFFFFF  }
0x98: {  	s19 =	sld [smem:$0x3FDB];
	_ =	sdelay $0x1  }
0x99: {  	s4 =	simm.s32 $_scs_section_size  }
0x9a: {  	s5 =	simm.s32 $_size__tile_overlayer_lowered;
	s6 =	simm.s32 $_tile_overlayer_lowered  }
0x9b: {  	s22 =	simm.s32 $0x1BFF;
	s21 =	sshll.u32 s6, $0x1;
	s3 =	sadd.s32 s4, s19  }
0x9c: {  	s7 =	simm.s32 $0x0;
	s20 =	sshll.u32 s5, $0x1;
	s5 =	sadd.s32 s21, s3  }
0x9d: {  	[timem:s7], [sflag:s22] =	dma.local [hbm:s5], s20  }
0x9e: {  	_ =	swait.ge [sflag:s22], s20  }
0x9f: {  	s4 =	ssub.s32 $0x0, s20;
	[sflag:s22] =	ssyncset.done $0x0  }
0xa0: {  	[sflag:s22] =	ssyncadd.s32 s4;
	_ =	sdelay $0x1  }
0xa1: {  	s23 =	simm.s32 $0x1B8B  }
0xa2: {  	_ =	swait.ge [sflag:s23], $0x1  }
0xa3: {  	[sflag:s23] =	ssyncset.done $0x0  }
0xa4: {  	s25 =	simm.s32 $0x1B8E;
	s24 =	sld [smem:$0x3FFE];
	[sflag:s23] =	ssyncadd.s32 $0xFFFFFFFF  }
0xa5: {  	s26 =	simm.s32 $execute0_lowered;
	[smem:$0x3FD2] =	sst s25  }
0xa6: {  	s5 =	sshll.u32 s26, $0x1;
	_ =	strace $0x80000046;
	[dreg:$0x1] =	wrdreg $0xFFFFFFFF  }
0xa7: {  	s28 =	simm.s32 $_size_execute0_lowered;
	s3 =	sadd.s32 s3, s5;
	[dreg:$0x0] =	wrdreg $0x0  }
0xa8: {  	s5 =	sshll.u32 s28, $0x1;
	[dreg:$0x2] =	wrdreg s3  }
0xa9: {  	[dreg:$0x3] =	wrdreg s5  }
0xaa: {  	[dreg:$0x4] =	wrdreg $0xC0  }
0xab: {  	_ =	task [dreg:s7], $0x5FFFF  }
0xac: {  	[dreg:$0x1] =	wrdreg $0xFFFFFFFF  }
0xad: {  	[dreg:$0x0] =	wrdreg $0x60  }
0xae: {  	[dreg:$0x2] =	wrdreg s2  }
0xaf: {  	[dreg:$0x3] =	wrdreg s24  }
0xb0: {  	[dreg:$0x4] =	wrdreg $0x81000  }
0xb1: {  	[dreg:$0x5] =	wrdreg $0x9  }
0xb2: {  	_ =	task.clear_ibuf [dreg:s7], $0x6FFFF;
	_ =	strace $0x90000046  }
0xb3: {  	s29 =	simm.s32 $0x9;
	_ =	strace $0x80000048  }
0xb4: {  	_ =	swait.ge [sflag:s29], $0x1  }
0xb5: {  	[sflag:s29] =	ssyncadd.s32 $0xFFFFFFFF  }
0xb6: {  	_ =	strace $0x90000048  }
0xb7: {  	_ =	sfence  }
0xb8: {  	s30 =	sld [smem:$0x0];
	_ =	sdelay $0x2  }
0xb9: {  	s31 =	sshll.u32 s1, $0xD;
	s1 =	sshrl.u32 s1, $0x2  }
0xba: {  	s3 =	sand.u32 $0x4000, s31;
	s1 =	sadd.s32 s1, s30  }
0xbb: {  	s0 =	sor.u32 s3, s0;
	s1 =	sshll.u32 s1, $0x11  }
0xbc: {  	s0 =	sor.u32 s1, s0  }
0xbd: {  	s0 =	sadd.s32 $0x8F2B, s0  }
0xbe: {  	[sflag:s0] =	ssyncadd.remote.s32 $0x1  }
0xbf: {  	_ =	sfence.sel $0xFFFF  }
0xc0: {  	[dreg:$0x0] =	wrdreg $0xFFFFFFFF;
	(pc) =	sbr.abs _section_cstart, $3  }
0xc1: {  	[dreg:$0x1] =	wrdreg $0xFFFFFFFF  }
0xc2: {  	_ =	task.clear_ibuf [dreg:s7], $0x2FFFF;
	_ =	strace $0x9FFFFFFF  }
0xc3: {  	(tm) =	ssettm $0x7FFFFFFF  }
tec
execute0_lowered:
.L_overlay_start_1:
0x0: {  	(tag) =	ssettag $0x1  }
0x1: {  	s0 =	rddreg [dreg:$0x0]  }
0x2: {  	s8 =	rddreg [dreg:$0x1];
	s1 =	srdreg.scid  }
0x3: {  	s3 =	rddreg [dreg:$0x2];
	s2 =	stileid.u32  }
0x4: {  	s4 =	simm.s32 $0x0;
	s16 =	simm.s32 $0x100;
	s17 =	simm.s32 $0x3  }
0x5: {  	s18 =	simm.s32 $0x80;
	s19 =	simm.s32 $0x4100;
	s20 =	simm.s32 $0x1  }
0x6: {  	s21 =	simm.s32 $0x2;
	s9 =	sand.u32 $0x1, s1;
	s1 =	rddreg [dreg:$0x3]  }
0x7: {  	s7 =	smul.u32 $0x14000, s2;
	[smem:$0x7FF] =	sst s4;
	s5 =	sadd.s32 $0x505800, s8  }
0x8: {  	s11 =	smul.u32 $0x50000, s2;
	s12 =	sshll.u32 s2, $0x1;
	s22 =	sshll.u32 s2, $0x6  }
0x9: {  	s6 =	smul.u32 $0x140000, s9;
	_ =	strace $0x80000047;
	s30 =	ssub.s32 $0x2, s9  }
0xa: {  	s13 =	sor.u32 s9, s12;
	s22 =	sor.u32 $0x1C03, s22;
	s31 =	sshrl.u32 s30, $0x1  }
0xb: {  	s11 =	sshrl.u32 s11, $0x2;
	s13 =	smul.u32 $0x2780, s13;
	s7 =	sadd.s32 s7, s6  }
0xc: {  	s6 =	sadd.s32 $0x4F1C00, s8;
	s15 =	ssub.s32 s30, s31;
	s10 =	sshrl.u32 s7, $0x3  }
0xd: {  	s7 =	sadd.s32 $0x4FBA00, s8;
	s14 =	sadd.s32 s10, s8;
	s8 =	sadd.s32 s11, s3  }
0xe: {  	s15 =	smax.u32 s15, $0x1;
	s9 =	sadd.s32 $0x4000, s8;
	s10 =	sadd.s32 $0x8000, s8  }
0xf: {  	v0 =	vimm.f32 $0.0e+00;
	s11 =	sadd.s32 $0xC000, s8;
	s12 =	sadd.s32 $0x10000, s8;
	s14 =	sadd.s32 $0x1C00, s14  }
.LBB2_1:
0x10: {  	s23 =	simm.s32 $0x0;
	s24 =	simm.s32 $0x200  }
.LBB2_2:
0x11: {  	p0 =	sne.s32 s24, $0xFE00;
	[tilespmem:s23+$0x170] =	vst v0  }
0x12: {  	[tilespmem:s23+$0x100] =	vst v0  }
0x13: {  	[tilespmem:s23+$0x110] =	vst v0  }
.Ltmp0:
0x14: {  	[tilespmem:s23+$0x120] =	vst v0;
	(pc) =	sbr.rel @p0 .LBB2_2-.Ltmp0, $4  }
0x15: {  	[tilespmem:s23+$0x130] =	vst v0  }
0x16: {  	[tilespmem:s23+$0x140] =	vst v0  }
0x17: {  	[tilespmem:s23+$0x150] =	vst v0  }
0x18: {  	[tilespmem:s23+$0x160] =	vst v0;
	s23 =	sshra.s32 s24, $0x2;
	s24 =	sadd.s32 $0x200, s24  }
0x19: {  	[tilespmem:s23+$0x170] =	vst v0  }
0x1a: {  	[tilespmem:s23+$0x100] =	vst v0  }
0x1b: {  	[tilespmem:s23+$0x110] =	vst v0  }
0x1c: {  	[tilespmem:s23+$0x120] =	vst v0  }
0x1d: {  	[tilespmem:s23+$0x130] =	vst v0  }
0x1e: {  	[tilespmem:s23+$0x140] =	vst v0  }
0x1f: {  	[tilespmem:s23+$0x150] =	vst v0  }
0x20: {  	[tilespmem:s23+$0x160] =	vst v0  }
0x21: {  	[spmem:s8] =	stream.linear.scatter [tilespmem:s16], [sflag:$0x3], $0x4000, $0x38;
	[tilespmem:$0x1C100] =	vst v63  }
0x22: {  	_ =	swait.ge [sflag:s17], $0x4000  }
0x23: {  	[sflag:s17] =	ssyncset.done $0x0  }
0x24: {  	[sflag:s17] =	ssyncadd.s32 $0xFFFFC000  }
0x25: {  	[spmem:s9] =	stream.linear.scatter [tilespmem:s16], [sflag:$0x3], $0x4000, $0x38;
	[tilespmem:$0x1C100] =	vst v63  }
0x26: {  	_ =	swait.ge [sflag:s17], $0x4000  }
0x27: {  	[sflag:s17] =	ssyncset.done $0x0  }
0x28: {  	[sflag:s17] =	ssyncadd.s32 $0xFFFFC000  }
0x29: {  	[spmem:s10] =	stream.linear.scatter [tilespmem:s16], [sflag:$0x3], $0x4000, $0x38;
	[tilespmem:$0x1C100] =	vst v63  }
0x2a: {  	_ =	swait.ge [sflag:s17], $0x4000  }
0x2b: {  	[sflag:s17] =	ssyncset.done $0x0  }
0x2c: {  	[sflag:s17] =	ssyncadd.s32 $0xFFFFC000  }
0x2d: {  	[spmem:s11] =	stream.linear.scatter [tilespmem:s16], [sflag:$0x3], $0x4000, $0x38;
	[tilespmem:$0x1C100] =	vst v63  }
0x2e: {  	_ =	swait.ge [sflag:s17], $0x4000  }
0x2f: {  	[sflag:s17] =	ssyncset.done $0x0  }
0x30: {  	[sflag:s17] =	ssyncadd.s32 $0xFFFFC000  }
0x31: {  	[spmem:s12] =	stream.linear.scatter [tilespmem:s16], [sflag:$0x3], $0x4000, $0x38;
	[tilespmem:$0x1C100] =	vst v63  }
0x32: {  	_ =	swait.ge [sflag:s17], $0x4000  }
0x33: {  	[sflag:s17] =	ssyncset.done $0x0  }
0x34: {  	[sflag:s17] =	ssyncadd.s32 $0xFFFFC000  }
0x35: {  	s23 =	simm.s32 $0x0;
	s24 =	simm.s32 $0x0;
	[bflag:$0x0] =	sbarrier.arrive $0xFFFF  }
.LBB2_4:
0x36: {  	s25 =	sshll.u32 s24, $0x7  }
0x37: {  	s25 =	sadd.s32 s13, s25  }
0x38: {  	s26 =	sshrl.u32 s25, $0x3  }
0x39: {  	s28 =	sadd.s32 s6, s26  }
0x3a: {  	[tilespmem:s23], [sflag:$0x3] =	stream.linear.gather [hbm4b:s28+s23], $0x80, $0x38;
	[tilespmem:$0x1C100] =	vst v63  }
0x3b: {  	_ =	swait.ge [sflag:s17], $0x80  }
0x3c: {  	[sflag:s17] =	ssyncset.done $0x0  }
0x3d: {  	s26 =	sadd.s32 s7, s26;
	[sflag:s17] =	ssyncadd.s32 $0xFFFFFF80  }
0x3e: {  	[tilespmem:s18], [sflag:$0x3] =	stream.linear.gather [hbm4b:s26+s23], $0x80, $0x38;
	[tilespmem:$0x1C100] =	vst v63  }
0x3f: {  	_ =	swait.ge [sflag:s17], $0x80  }
0x40: {  	[sflag:s17] =	ssyncset.done $0x0  }
0x41: {  	s25 =	sshll.u32 s25, $0x4;
	[sflag:s17] =	ssyncadd.s32 $0xFFFFFF80  }
0x42: {  	[tilespmem:s16], [sflag:$0x1] =	stream.indirect.gather [hbm4b:s0+s18], $0x80, s23, s18, $0xb8;
	[tilespmem:$0x1C100] =	vst v63  }
0x43: {  	s25 =	sadd.s32 s5, s25  }
0x44: {  	[tilespmem:s19], [sflag:$0x2] =	stream.linear.gather [hbm4b:s25+s23], $0x4000, $0x38;
	[tilespmem:$0x1C100] =	vst v63  }
0x45: {  	_ =	swait.ge [sflag:s20], $0x4000  }
0x46: {  	[sflag:s20] =	ssyncset.done $0x0  }
0x47: {  	[sflag:s20] =	ssyncadd.s32 $0xFFFFC000  }
0x48: {  	_ =	swait.ge [sflag:s21], $0x4000  }
0x49: {  	[sflag:s21] =	ssyncset.done $0x0  }
0x4a: {  	s25 =	simm.s32 $0x0;
	[sflag:s21] =	ssyncadd.s32 $0xFFFFC000  }
0x4b: {  	v8 =	vld [tilespmem:s25+$0x4100]  }
0x4c: {  	v12 =	vld [tilespmem:s25+$0x4110]  }
0x4d: {  	v6 =	vld [tilespmem:s25+$0x4120]  }
0x4e: {  	v5 =	vld [tilespmem:s25+$0x4130]  }
0x4f: {  	v4 =	vld [tilespmem:s25+$0x4140]  }
0x50: {  	v3 =	vld [tilespmem:s25+$0x4150]  }
0x51: {  	v2 =	vld [tilespmem:s25+$0x4160]  }
0x52: {  	v1 =	vld [tilespmem:s25+$0x4170]  }
0x53: {  	v13 =	vld [tilespmem:s25+$0x100]  }
0x54: {  	v14 =	vld [tilespmem:s25+$0x110]  }
0x55: {  	v11 =	vld [tilespmem:s25+$0x120]  }
0x56: {  	v10 =	vld [tilespmem:s25+$0x130]  }
0x57: {  	v9 =	vld [tilespmem:s25+$0x140]  }
0x58: {  	v7 =	vld [tilespmem:s25+$0x150];
	v13 =	vmul.f32 v8, v13  }
0x59: {  	s26 =	simm.s32 $0x200;
	v12 =	vmul.f32 v12, v14;
	v8 =	vld [tilespmem:s25+$0x160]  }
.LBB2_5:
0x5a: {  	s28 =	sshra.s32 s26, $0x2;
	p0 =	sne.s32 s26, $0xFE00;
	[tilespmem:s25+$0x100] =	vst v13;
	v6 =	vmul.f32 v6, v11;
	v11 =	vld [tilespmem:s25+$0x170]  }
0x5b: {  	v13 =	vld [tilespmem:s28+$0x4100];
	[tilespmem:s25+$0x110] =	vst v12;
	v5 =	vmul.f32 v5, v10  }
0x5c: {  	v12 =	vld [tilespmem:s28+$0x4110];
	[tilespmem:s25+$0x120] =	vst v6;
	v4 =	vmul.f32 v4, v9  }
0x5d: {  	v6 =	vld [tilespmem:s28+$0x4120];
	[tilespmem:s25+$0x130] =	vst v5;
	v3 =	vmul.f32 v3, v7  }
0x5e: {  	v5 =	vld [tilespmem:s28+$0x4130];
	[tilespmem:s25+$0x140] =	vst v4;
	v2 =	vmul.f32 v2, v8  }
0x5f: {  	v4 =	vld [tilespmem:s28+$0x4140];
	[tilespmem:s25+$0x150] =	vst v3;
	v1 =	vmul.f32 v1, v11  }
0x60: {  	v3 =	vld [tilespmem:s28+$0x4150];
	[tilespmem:s25+$0x160] =	vst v2  }
0x61: {  	v2 =	vld [tilespmem:s28+$0x4160];
	[tilespmem:s25+$0x170] =	vst v1;
	s25 =	smov.u32 s28  }
0x62: {  	v1 =	vld [tilespmem:s25+$0x4170]  }
0x63: {  	v7 =	vld [tilespmem:s25+$0x100]  }
0x64: {  	v8 =	vld [tilespmem:s25+$0x110]  }
.Ltmp1:
0x65: {  	v11 =	vld [tilespmem:s25+$0x120];
	(pc) =	sbr.rel @p0 .LBB2_5-.Ltmp1, $4  }
0x66: {  	v10 =	vld [tilespmem:s25+$0x130]  }
0x67: {  	v9 =	vld [tilespmem:s25+$0x140]  }
0x68: {  	v13 =	vmul.f32 v13, v7;
	v7 =	vld [tilespmem:s25+$0x150]  }
0x69: {  	s26 =	sadd.s32 $0x200, s26;
	v12 =	vmul.f32 v12, v8;
	v8 =	vld [tilespmem:s25+$0x160]  }
0x6a: {  	[tilespmem:s25+$0x100] =	vst v13;
	v6 =	vmul.f32 v6, v11;
	v63 =	vld [tilespmem:s25+$0x170]  }
0x6b: {  	[tilespmem:s25+$0x110] =	vst v12;
	v5 =	vmul.f32 v5, v10  }
0x6c: {  	[tilespmem:s25+$0x120] =	vst v6;
	v4 =	vmul.f32 v4, v9  }
0x6d: {  	[tilespmem:s25+$0x130] =	vst v5;
	v3 =	vmul.f32 v3, v7  }
0x6e: {  	[tilespmem:s25+$0x140] =	vst v4;
	v2 =	vmul.f32 v2, v8  }
0x6f: {  	s24 =	sadd.s32 $0x1, s24;
	[tilespmem:s25+$0x150] =	vst v3;
	v1 =	vmul.f32 v1, v63  }
0x70: {  	p0 =	sne.s32 s24, $0x4F;
	[tilespmem:s25+$0x160] =	vst v2  }
.Ltmp2:
0x71: {  	[tilespmem:s25+$0x170] =	vst v1;
	(pc) =	sbr.rel @p0 .LBB2_4-.Ltmp2, $4  }
0x72: {  	[spmem:s3] =	stream.indirect.scatter.add.f32 [tilespmem:s16], [sflag:$0x3], $0x80, s18, s18, $0xb8;
	[tilespmem:$0x1C100] =	vst v63  }
0x73: {  	_ =	swait.ge [sflag:s17], $0x4000  }
0x74: {  	[sflag:s17] =	ssyncset.done $0x0  }
0x75: {  	[sflag:s17] =	ssyncadd.s32 $0xFFFFC000  }
0x76: {  	s4 =	sadd.s32 $0x1, s4  }
0x77: {  	p0 =	sne.s32 s4, s15  }
.Ltmp3:
0x78: {  	[bflag:$0x0] =	sbarrier.arrive $0xFFFF;
	s23 =	sshrl.u32 s8, $0x3;
	(pc) =	sbr.rel @p0 .LBB2_1-.Ltmp3, $4  }
0x79: {  	[hbm:s14], [sflag:s22] =	dma.local [spmem:s23], $0x2800  }
0x7a: {  	_ =	swait.ge [sflag:s17], $0x2800  }
0x7b: {  	[sflag:s17] =	ssyncset.done $0x0  }
0x7c: {  	[sflag:s17] =	ssyncadd.s32 $0xFFFFD800  }
0x7d: {  	_ =	sfence.sel $0x180000  }
0x7e: {  	[bflag:$0x0] =	sbarrier.arrive $0xFFFF  }
0x7f: {  	p0 =	sne.s32 s2, $0x0;
	_ =	strace $0x90000047  }
0x80: {  	s0 =	sadd.s32 @!p0 $0x100000, s1;
	[bflag:$0x2] =	sbarrier.arrive $0xFFFF  }
0x81: {  	[sflag:s0] =	ssyncadd.tile.s32 @!p0 $0x1;
	_ =	shalt  }
.Lfunc_end2:
_tile_overlayer_lowered:
.L_overlay_start_2:
0x82: {  	(tag) =	ssettag $0x2  }
0x83: {  	s0 =	rddreg [dreg:$0x0];
	s2 =	stileid.u32  }
0x84: {  	s1 =	rddreg [dreg:$0x1];
	p0 =	sne.s32 s2, $0x0  }
0x85: {  	s3 =	rddreg [dreg:$0x2];
	[bflag:$0x3] =	sbarrier.arrive $0xFFFF;
	s2 =	simm.s32 @!p0 $0x1C03  }
0x86: {  	[timem:s3], [sflag:s2] =	dma.local @!p0 [hbm:s0], s1  }
0x87: {  	s0 =	simm.s32 @!p0 $0x3  }
0x88: {  	_ =	swait.ge @!p0 [sflag:s0], s1  }
0x89: {  	s1 =	ssub.s32 @!p0 $0x0, s1;
	[sflag:s0] =	ssyncset.done @!p0 $0x0  }
0x8a: {  	[sflag:s0] =	ssyncadd.s32 @!p0 s1  }
0x8b: {  	[bflag:$0x3] =	sbarrier.arrive $0xFFFF  }
0x8c: {  	_ =	shalt  }

</sc_bundles>
